<compile_context>
chip_gen: v7x
topology: tpu7x:2x2x1
jax: 0.10.2.dev20260603
libtpu: 0.0.44.dev20260713+nightly
codegen_flags: <defaults>
</compile_context>

<pallas_src>
import functools

import jax
import jax.numpy as jnp
from jax import lax
from jax.experimental import pallas as pl
from jax.experimental.pallas import tpu as pltpu
from jax.experimental.pallas import tpu_sc as plsc

IMW = 224
ROWS = 8 * 192 * 224
NC, NS = 2, 16
NW = NC * NS
ROWS_PER_W = ROWS // NW
CHUNK = 128
NCHUNK = ROWS_PER_W // CHUNK
NGRP = IMW // 16

_mesh = plsc.VectorSubcoreMesh(
    core_axis_name="c", subcore_axis_name="s", num_cores=NC, num_subcores=NS)


@functools.partial(
    pl.kernel,
    out_type=jax.ShapeDtypeStruct((ROWS, IMW), jnp.float32),
    mesh=_mesh,
    scratch_types=[
        pltpu.VMEM((IMW,), jnp.int32),
        pltpu.VMEM((CHUNK, IMW), jnp.float32),
        pltpu.VMEM((CHUNK, IMW), jnp.float32),
        pltpu.VMEM((CHUNK, IMW), jnp.float32),
        pltpu.VMEM((CHUNK, IMW), jnp.float32),
        pltpu.SemaphoreType.DMA,
        pltpu.SemaphoreType.DMA,
        pltpu.SemaphoreType.DMA,
        pltpu.SemaphoreType.DMA,
    ],
    compiler_params=pltpu.CompilerParams(
        use_tc_tiling_on_sc=False, needs_layout_passes=False),
)
def _sc_flip(x_hbm, idx_hbm, o_hbm, idx_v, in0, in1, out0, out1,
             in_s0, in_s1, out_s0, out_s1):
    wid = lax.axis_index("s") * NC + lax.axis_index("c")
    first = wid * NCHUNK
    pltpu.sync_copy(idx_hbm, idx_v)
    colvecs = [idx_v[pl.ds(g * 16, 16)] for g in range(NGRP)]

    ins = (in0, in1)
    outs = (out0, out1)
    in_sems = (in_s0, in_s1)
    out_sems = (out_s0, out_s1)

    def start_in(c, b):
        pltpu.async_copy(x_hbm.at[pl.ds((first + c) * CHUNK, CHUNK)],
                         ins[b], in_sems[b])

    def flip_chunk(in_v, out_v):
        @plsc.parallel_loop(0, CHUNK, unroll=4)
        def _(r):
            rsplat = jnp.full((16,), r, dtype=jnp.int32)
            for g in range(NGRP):
                out_v[r, pl.ds(g * 16, 16)] = plsc.load_gather(
                    in_v, [rsplat, colvecs[g]])

    start_in(0, 0)
    start_in(1, 1)

    def pair_body(p, _):
        for b in range(2):
            c = 2 * p + b
            pltpu.make_async_copy(
                x_hbm.at[pl.ds(0, CHUNK)], ins[b], in_sems[b]).wait()

            @pl.when(p > 0)
            def _():
                pltpu.make_async_copy(
                    outs[b], o_hbm.at[pl.ds(0, CHUNK)], out_sems[b]).wait()

            flip_chunk(ins[b], outs[b])
            pltpu.async_copy(outs[b],
                             o_hbm.at[pl.ds((first + c) * CHUNK, CHUNK)],
                             out_sems[b])

            @pl.when(c + 2 < NCHUNK)
            def _():
                start_in(c + 2, b)
        return ()

    lax.fori_loop(0, NCHUNK // 2, pair_body, ())
    for b in range(2):
        pltpu.make_async_copy(
            outs[b], o_hbm.at[pl.ds(0, CHUNK)], out_sems[b]).wait()


def kernel(input, inv_indices):
    x2 = input.reshape(ROWS, IMW)
    out = _sc_flip(x2, inv_indices.astype(jnp.int32))
    return out.reshape(input.shape)

# --- scband reference (transcript-rebuilt; emitter-appended) ---
"""Pipeline reference for scband-flip-lr-20332375179941 (READ-ONLY COPY).

The authoritative reference and input builder live on the scoring server;
editing this copy changes nothing except your own understanding.
"""

import jax, jax.numpy as jnp
import numpy as np

IMW = 224
DIM_W = 3

def setup_inputs(seed: int = 0) -> dict:
    key = jax.random.key(seed)
    k1, = jax.random.split(key, 1)
    x = jax.random.normal(k1, (8, 192, 224, 224), dtype=jnp.float32)
    inv_indices = jnp.arange(IMW - 1, -1, -1, dtype=jnp.int64 if jax.config.read('jax_enable_x64') else jnp.int32)
    return {"input": x, "inv_indices": inv_indices}

def reference(input, inv_indices):
    # torch: input.index_select(dim_w, inv_indices) with dim_w=3
    return jnp.take(input, inv_indices, axis=DIM_W)

if __name__ == "__main__":
    import jax
    _d = setup_inputs()
    print(jax.jit(kernel)(*tuple(_d.values())))

</pallas_src>

<mosaic_0001>
#map = affine_map<(d0, d1) -> (0, 0)>
#map1 = affine_map<(d0, d1) -> (0)>
module attributes {stable_mosaic.version = 14 : i64} {
  func.func @_sc_flip(%arg0: i32, %arg1: i32, %arg2: memref<344064x224xf32, #tpu.memory_space<hbm>>, %arg3: memref<224xi32, #tpu.memory_space<hbm>>, %arg4: memref<344064x224xf32, #tpu.memory_space<hbm>>, %arg5: memref<224xi32, #tpu.memory_space<vmem>>, %arg6: memref<128x224xf32, #tpu.memory_space<vmem>>, %arg7: memref<128x224xf32, #tpu.memory_space<vmem>>, %arg8: memref<128x224xf32, #tpu.memory_space<vmem>>, %arg9: memref<128x224xf32, #tpu.memory_space<vmem>>, %arg10: memref<!tpu.dma_semaphore, #tpu.memory_space<semaphore_mem>>, %arg11: memref<!tpu.dma_semaphore, #tpu.memory_space<semaphore_mem>>, %arg12: memref<!tpu.dma_semaphore, #tpu.memory_space<semaphore_mem>>, %arg13: memref<!tpu.dma_semaphore, #tpu.memory_space<semaphore_mem>>) attributes {dimension_semantics = [#tpu.dimension_semantics<core_parallel>, #tpu.dimension_semantics<subcore_parallel>], iteration_bounds = array<i64: 2, 16>, scalar_prefetch = 0 : i64, scratch_operands = 9 : i64, tpu.core_type = #tpu.core_type<sc_vector_subcore>, window_params = [{transform_indices = #map}, {transform_indices = #map1}, {transform_indices = #map}]} {
    %mul3A = arith.constant 2 : i32
    %mul3A_0 = arith.muli %arg1, %mul3A : i32
    %add3A = arith.addi %mul3A_0, %arg0 : i32
    %mul3A_1 = arith.constant 84 : i32
    %mul3A_2 = arith.muli %add3A, %mul3A_1 : i32
    "tpu.region"() ({
      %run_scoped3A = tpu.sem_alloc : memref<!tpu.dma_semaphore, #tpu.memory_space<semaphore_mem>>
      tpu.enqueue_dma source(%arg3 : memref<224xi32, #tpu.memory_space<hbm>>) target(%arg5 : memref<224xi32, #tpu.memory_space<vmem>>) target_semaphore(%run_scoped3A : memref<!tpu.dma_semaphore, #tpu.memory_space<semaphore_mem>>)
      tpu.wait_dma2 semaphore(%run_scoped3A : memref<!tpu.dma_semaphore, #tpu.memory_space<semaphore_mem>>) src(%arg3 : memref<224xi32, #tpu.memory_space<hbm>>) dst(%arg5 : memref<224xi32, #tpu.memory_space<vmem>>)
      tpu.yield
    }) : () -> ()
    %get3A = arith.constant 0 : index
    %get3A_3 = tpu.vector_load %arg5[%get3A] {strides = array<i32>} : memref<224xi32, #tpu.memory_space<vmem>>, vector<16xi32>,
    %get3A_4 = arith.constant 16 : index
    %get3A_5 = tpu.vector_load %arg5[%get3A_4] {strides = array<i32>} : memref<224xi32, #tpu.memory_space<vmem>>, vector<16xi32>,
    %get3A_6 = arith.constant 32 : index
    %get3A_7 = tpu.vector_load %arg5[%get3A_6] {strides = array<i32>} : memref<224xi32, #tpu.memory_space<vmem>>, vector<16xi32>,
    %get3A_8 = arith.constant 48 : index
    %get3A_9 = tpu.vector_load %arg5[%get3A_8] {strides = array<i32>} : memref<224xi32, #tpu.memory_space<vmem>>, vector<16xi32>,
    %get3A_10 = arith.constant 64 : index
    %get3A_11 = tpu.vector_load %arg5[%get3A_10] {strides = array<i32>} : memref<224xi32, #tpu.memory_space<vmem>>, vector<16xi32>,
    %get3A_12 = arith.constant 80 : index
    %get3A_13 = tpu.vector_load %arg5[%get3A_12] {strides = array<i32>} : memref<224xi32, #tpu.memory_space<vmem>>, vector<16xi32>,
    %get3A_14 = arith.constant 96 : index
    %get3A_15 = tpu.vector_load %arg5[%get3A_14] {strides = array<i32>} : memref<224xi32, #tpu.memory_space<vmem>>, vector<16xi32>,
    %get3A_16 = arith.constant 112 : index
    %get3A_17 = tpu.vector_load %arg5[%get3A_16] {strides = array<i32>} : memref<224xi32, #tpu.memory_space<vmem>>, vector<16xi32>,
    %get3A_18 = arith.constant 128 : index
    %get3A_19 = tpu.vector_load %arg5[%get3A_18] {strides = array<i32>} : memref<224xi32, #tpu.memory_space<vmem>>, vector<16xi32>,
    %get3A_20 = arith.constant 144 : index
    %get3A_21 = tpu.vector_load %arg5[%get3A_20] {strides = array<i32>} : memref<224xi32, #tpu.memory_space<vmem>>, vector<16xi32>,
    %get3A_22 = arith.constant 160 : index
    %get3A_23 = tpu.vector_load %arg5[%get3A_22] {strides = array<i32>} : memref<224xi32, #tpu.memory_space<vmem>>, vector<16xi32>,
    %get3A_24 = arith.constant 176 : index
    %get3A_25 = tpu.vector_load %arg5[%get3A_24] {strides = array<i32>} : memref<224xi32, #tpu.memory_space<vmem>>, vector<16xi32>,
    %get3A_26 = arith.constant 192 : index
    %get3A_27 = tpu.vector_load %arg5[%get3A_26] {strides = array<i32>} : memref<224xi32, #tpu.memory_space<vmem>>, vector<16xi32>,
    %get3A_28 = arith.constant 208 : index
    %get3A_29 = tpu.vector_load %arg5[%get3A_28] {strides = array<i32>} : memref<224xi32, #tpu.memory_space<vmem>>, vector<16xi32>,
    %add3A_30 = arith.constant 0 : i32
    %add3A_31 = arith.addi %mul3A_2, %add3A_30 : i32
    %mul3A_32 = arith.constant 128 : i32
    %mul3A_33 = arith.muli %add3A_31, %mul3A_32 : i32
    %dma_start3A = arith.constant 0 : i32
    %dma_start3A_34 = tpu.memref_slice %arg2[%mul3A_33, %dma_start3A] : memref<344064x224xf32, #tpu.memory_space<hbm>> -> memref<128x224xf32, #tpu.memory_space<hbm>>
    %dma_start3A_35 = arith.constant 0 : i32
    %dma_start3A_36 = tpu.memref_slice %arg2[%mul3A_33, %dma_start3A_35] : memref<344064x224xf32, #tpu.memory_space<hbm>> -> memref<128x224xf32, #tpu.memory_space<hbm>>
    tpu.enqueue_dma source(%dma_start3A_36 : memref<128x224xf32, #tpu.memory_space<hbm>>) target(%arg6 : memref<128x224xf32, #tpu.memory_space<vmem>>) target_semaphore(%arg10 : memref<!tpu.dma_semaphore, #tpu.memory_space<semaphore_mem>>)
    %add3A_37 = arith.constant 1 : i32
    %add3A_38 = arith.addi %mul3A_2, %add3A_37 : i32
    %mul3A_39 = arith.constant 128 : i32
    %mul3A_40 = arith.muli %add3A_38, %mul3A_39 : i32
    %dma_start3A_41 = arith.constant 0 : i32
    %dma_start3A_42 = tpu.memref_slice %arg2[%mul3A_40, %dma_start3A_41] : memref<344064x224xf32, #tpu.memory_space<hbm>> -> memref<128x224xf32, #tpu.memory_space<hbm>>
    %dma_start3A_43 = arith.constant 0 : i32
    %dma_start3A_44 = tpu.memref_slice %arg2[%mul3A_40, %dma_start3A_43] : memref<344064x224xf32, #tpu.memory_space<hbm>> -> memref<128x224xf32, #tpu.memory_space<hbm>>
    tpu.enqueue_dma source(%dma_start3A_44 : memref<128x224xf32, #tpu.memory_space<hbm>>) target(%arg7 : memref<128x224xf32, #tpu.memory_space<vmem>>) target_semaphore(%arg11 : memref<!tpu.dma_semaphore, #tpu.memory_space<semaphore_mem>>)
    %scan3A = arith.constant 0 : i32
    %scan3A_45 = arith.constant 42 : i32
    %scan3A_46 = arith.addi %scan3A, %scan3A_45 : i32
    %scan3A_47 = arith.constant 1 : i32
    scf.for %scan3A_60 = %scan3A to %scan3A_46 step %scan3A_47  : i32 {
      %mul3A_61 = arith.constant 2 : i32
      %mul3A_62 = arith.muli %mul3A_61, %scan3A_60 : i32
      %add3A_63 = arith.constant 0 : i32
      %add3A_64 = arith.addi %mul3A_62, %add3A_63 : i32
      %dma_wait3A_65 = arith.constant 0 : i32
      %dma_wait3A_66 = arith.constant 0 : i32
      %dma_wait3A_67 = tpu.memref_slice %arg2[%dma_wait3A_65, %dma_wait3A_66] : memref<344064x224xf32, #tpu.memory_space<hbm>> -> memref<128x224xf32, #tpu.memory_space<hbm>>
      %dma_wait3A_68 = arith.constant 0 : i32
      %dma_wait3A_69 = arith.constant 0 : i32
      %dma_wait3A_70 = tpu.memref_slice %arg2[%dma_wait3A_68, %dma_wait3A_69] : memref<344064x224xf32, #tpu.memory_space<hbm>> -> memref<128x224xf32, #tpu.memory_space<hbm>>
      tpu.wait_dma2 semaphore(%arg10 : memref<!tpu.dma_semaphore, #tpu.memory_space<semaphore_mem>>) src(%dma_wait3A_70 : memref<128x224xf32, #tpu.memory_space<hbm>>) dst(%arg6 : memref<128x224xf32, #tpu.memory_space<vmem>>)
      %gt3A = arith.constant 0 : i32
      %gt3A_71 = arith.cmpi sgt, %scan3A_60, %gt3A : i32
      %convert_element_type3A = arith.extui %gt3A_71 : i1 to i32
      %cond3A = arith.constant 0 : i32
      %cond3A_72 = arith.cmpi ne, %convert_element_type3A, %cond3A : i32
      scf.if %cond3A_72 {
        %dma_wait3A_120 = arith.constant 0 : i32
        %dma_wait3A_121 = arith.constant 0 : i32
        %dma_wait3A_122 = tpu.memref_slice %arg4[%dma_wait3A_120, %dma_wait3A_121] : memref<344064x224xf32, #tpu.memory_space<hbm>> -> memref<128x224xf32, #tpu.memory_space<hbm>>
        %dma_wait3A_123 = arith.constant 0 : i32
        %dma_wait3A_124 = arith.constant 0 : i32
        %dma_wait3A_125 = tpu.memref_slice %arg4[%dma_wait3A_123, %dma_wait3A_124] : memref<344064x224xf32, #tpu.memory_space<hbm>> -> memref<128x224xf32, #tpu.memory_space<hbm>>
        tpu.wait_dma2 semaphore(%arg12 : memref<!tpu.dma_semaphore, #tpu.memory_space<semaphore_mem>>) src(%arg8 : memref<128x224xf32, #tpu.memory_space<vmem>>) dst(%dma_wait3A_125 : memref<128x224xf32, #tpu.memory_space<hbm>>)
      } else {
      }
      %parallel_loop3A = arith.constant 0 : i32
      %parallel_loop3A_73 = arith.constant 128 : i32
      %parallel_loop3A_74 = arith.constant 1 : i32
      scf.for %parallel_loop3A_120 = %parallel_loop3A to %parallel_loop3A_73 step %parallel_loop3A_74  : i32 {
        %parallel_loop3A_121 = vector.broadcast %parallel_loop3A_120 : i32 to vector<16xi32>
        %parallel_loop3A_122 = tpu.vector_load_idx %arg6[%parallel_loop3A_121, %get3A_3] : memref<128x224xf32, #tpu.memory_space<vmem>>[vector<16xi32>, vector<16xi32>], vector<16xf32>,
        %parallel_loop3A_123 = arith.index_cast %parallel_loop3A_120 : i32 to index
        %parallel_loop3A_124 = arith.constant 0 : index
        %parallel_loop3A_125 = tpu.vector_load %arg8[%parallel_loop3A_123, %parallel_loop3A_124] {strides = array<i32>} : memref<128x224xf32, #tpu.memory_space<vmem>>, vector<16xf32>,
        tpu.vector_store %arg8[%parallel_loop3A_123, %parallel_loop3A_124], %parallel_loop3A_122 {strides = array<i32>} : memref<128x224xf32, #tpu.memory_space<vmem>>, vector<16xf32>,
        %parallel_loop3A_126 = tpu.vector_load_idx %arg6[%parallel_loop3A_121, %get3A_5] : memref<128x224xf32, #tpu.memory_space<vmem>>[vector<16xi32>, vector<16xi32>], vector<16xf32>,
        %parallel_loop3A_127 = arith.index_cast %parallel_loop3A_120 : i32 to index
        %parallel_loop3A_128 = arith.constant 16 : index
        %parallel_loop3A_129 = tpu.vector_load %arg8[%parallel_loop3A_127, %parallel_loop3A_128] {strides = array<i32>} : memref<128x224xf32, #tpu.memory_space<vmem>>, vector<16xf32>,
        tpu.vector_store %arg8[%parallel_loop3A_127, %parallel_loop3A_128], %parallel_loop3A_126 {strides = array<i32>} : memref<128x224xf32, #tpu.memory_space<vmem>>, vector<16xf32>,
        %parallel_loop3A_130 = tpu.vector_load_idx %arg6[%parallel_loop3A_121, %get3A_7] : memref<128x224xf32, #tpu.memory_space<vmem>>[vector<16xi32>, vector<16xi32>], vector<16xf32>,
        %parallel_loop3A_131 = arith.index_cast %parallel_loop3A_120 : i32 to index
        %parallel_loop3A_132 = arith.constant 32 : index
        %parallel_loop3A_133 = tpu.vector_load %arg8[%parallel_loop3A_131, %parallel_loop3A_132] {strides = array<i32>} : memref<128x224xf32, #tpu.memory_space<vmem>>, vector<16xf32>,
        tpu.vector_store %arg8[%parallel_loop3A_131, %parallel_loop3A_132], %parallel_loop3A_130 {strides = array<i32>} : memref<128x224xf32, #tpu.memory_space<vmem>>, vector<16xf32>,
        %parallel_loop3A_134 = tpu.vector_load_idx %arg6[%parallel_loop3A_121, %get3A_9] : memref<128x224xf32, #tpu.memory_space<vmem>>[vector<16xi32>, vector<16xi32>], vector<16xf32>,
        %parallel_loop3A_135 = arith.index_cast %parallel_loop3A_120 : i32 to index
        %parallel_loop3A_136 = arith.constant 48 : index
        %parallel_loop3A_137 = tpu.vector_load %arg8[%parallel_loop3A_135, %parallel_loop3A_136] {strides = array<i32>} : memref<128x224xf32, #tpu.memory_space<vmem>>, vector<16xf32>,
        tpu.vector_store %arg8[%parallel_loop3A_135, %parallel_loop3A_136], %parallel_loop3A_134 {strides = array<i32>} : memref<128x224xf32, #tpu.memory_space<vmem>>, vector<16xf32>,
        %parallel_loop3A_138 = tpu.vector_load_idx %arg6[%parallel_loop3A_121, %get3A_11] : memref<128x224xf32, #tpu.memory_space<vmem>>[vector<16xi32>, vector<16xi32>], vector<16xf32>,
        %parallel_loop3A_139 = arith.index_cast %parallel_loop3A_120 : i32 to index
        %parallel_loop3A_140 = arith.constant 64 : index
        %parallel_loop3A_141 = tpu.vector_load %arg8[%parallel_loop3A_139, %parallel_loop3A_140] {strides = array<i32>} : memref<128x224xf32, #tpu.memory_space<vmem>>, vector<16xf32>,
        tpu.vector_store %arg8[%parallel_loop3A_139, %parallel_loop3A_140], %parallel_loop3A_138 {strides = array<i32>} : memref<128x224xf32, #tpu.memory_space<vmem>>, vector<16xf32>,
        %parallel_loop3A_142 = tpu.vector_load_idx %arg6[%parallel_loop3A_121, %get3A_13] : memref<128x224xf32, #tpu.memory_space<vmem>>[vector<16xi32>, vector<16xi32>], vector<16xf32>,
        %parallel_loop3A_143 = arith.index_cast %parallel_loop3A_120 : i32 to index
        %parallel_loop3A_144 = arith.constant 80 : index
        %parallel_loop3A_145 = tpu.vector_load %arg8[%parallel_loop3A_143, %parallel_loop3A_144] {strides = array<i32>} : memref<128x224xf32, #tpu.memory_space<vmem>>, vector<16xf32>,
        tpu.vector_store %arg8[%parallel_loop3A_143, %parallel_loop3A_144], %parallel_loop3A_142 {strides = array<i32>} : memref<128x224xf32, #tpu.memory_space<vmem>>, vector<16xf32>,
        %parallel_loop3A_146 = tpu.vector_load_idx %arg6[%parallel_loop3A_121, %get3A_15] : memref<128x224xf32, #tpu.memory_space<vmem>>[vector<16xi32>, vector<16xi32>], vector<16xf32>,
        %parallel_loop3A_147 = arith.index_cast %parallel_loop3A_120 : i32 to index
        %parallel_loop3A_148 = arith.constant 96 : index
        %parallel_loop3A_149 = tpu.vector_load %arg8[%parallel_loop3A_147, %parallel_loop3A_148] {strides = array<i32>} : memref<128x224xf32, #tpu.memory_space<vmem>>, vector<16xf32>,
        tpu.vector_store %arg8[%parallel_loop3A_147, %parallel_loop3A_148], %parallel_loop3A_146 {strides = array<i32>} : memref<128x224xf32, #tpu.memory_space<vmem>>, vector<16xf32>,
        %parallel_loop3A_150 = tpu.vector_load_idx %arg6[%parallel_loop3A_121, %get3A_17] : memref<128x224xf32, #tpu.memory_space<vmem>>[vector<16xi32>, vector<16xi32>], vector<16xf32>,
        %parallel_loop3A_151 = arith.index_cast %parallel_loop3A_120 : i32 to index
        %parallel_loop3A_152 = arith.constant 112 : index
        %parallel_loop3A_153 = tpu.vector_load %arg8[%parallel_loop3A_151, %parallel_loop3A_152] {strides = array<i32>} : memref<128x224xf32, #tpu.memory_space<vmem>>, vector<16xf32>,
        tpu.vector_store %arg8[%parallel_loop3A_151, %parallel_loop3A_152], %parallel_loop3A_150 {strides = array<i32>} : memref<128x224xf32, #tpu.memory_space<vmem>>, vector<16xf32>,
        %parallel_loop3A_154 = tpu.vector_load_idx %arg6[%parallel_loop3A_121, %get3A_19] : memref<128x224xf32, #tpu.memory_space<vmem>>[vector<16xi32>, vector<16xi32>], vector<16xf32>,
        %parallel_loop3A_155 = arith.index_cast %parallel_loop3A_120 : i32 to index
        %parallel_loop3A_156 = arith.constant 128 : index
        %parallel_loop3A_157 = tpu.vector_load %arg8[%parallel_loop3A_155, %parallel_loop3A_156] {strides = array<i32>} : memref<128x224xf32, #tpu.memory_space<vmem>>, vector<16xf32>,
        tpu.vector_store %arg8[%parallel_loop3A_155, %parallel_loop3A_156], %parallel_loop3A_154 {strides = array<i32>} : memref<128x224xf32, #tpu.memory_space<vmem>>, vector<16xf32>,
        %parallel_loop3A_158 = tpu.vector_load_idx %arg6[%parallel_loop3A_121, %get3A_21] : memref<128x224xf32, #tpu.memory_space<vmem>>[vector<16xi32>, vector<16xi32>], vector<16xf32>,
        %parallel_loop3A_159 = arith.index_cast %parallel_loop3A_120 : i32 to index
        %parallel_loop3A_160 = arith.constant 144 : index
        %parallel_loop3A_161 = tpu.vector_load %arg8[%parallel_loop3A_159, %parallel_loop3A_160] {strides = array<i32>} : memref<128x224xf32, #tpu.memory_space<vmem>>, vector<16xf32>,
        tpu.vector_store %arg8[%parallel_loop3A_159, %parallel_loop3A_160], %parallel_loop3A_158 {strides = array<i32>} : memref<128x224xf32, #tpu.memory_space<vmem>>, vector<16xf32>,
        %parallel_loop3A_162 = tpu.vector_load_idx %arg6[%parallel_loop3A_121, %get3A_23] : memref<128x224xf32, #tpu.memory_space<vmem>>[vector<16xi32>, vector<16xi32>], vector<16xf32>,
        %parallel_loop3A_163 = arith.index_cast %parallel_loop3A_120 : i32 to index
        %parallel_loop3A_164 = arith.constant 160 : index
        %parallel_loop3A_165 = tpu.vector_load %arg8[%parallel_loop3A_163, %parallel_loop3A_164] {strides = array<i32>} : memref<128x224xf32, #tpu.memory_space<vmem>>, vector<16xf32>,
        tpu.vector_store %arg8[%parallel_loop3A_163, %parallel_loop3A_164], %parallel_loop3A_162 {strides = array<i32>} : memref<128x224xf32, #tpu.memory_space<vmem>>, vector<16xf32>,
        %parallel_loop3A_166 = tpu.vector_load_idx %arg6[%parallel_loop3A_121, %get3A_25] : memref<128x224xf32, #tpu.memory_space<vmem>>[vector<16xi32>, vector<16xi32>], vector<16xf32>,
        %parallel_loop3A_167 = arith.index_cast %parallel_loop3A_120 : i32 to index
        %parallel_loop3A_168 = arith.constant 176 : index
        %parallel_loop3A_169 = tpu.vector_load %arg8[%parallel_loop3A_167, %parallel_loop3A_168] {strides = array<i32>} : memref<128x224xf32, #tpu.memory_space<vmem>>, vector<16xf32>,
        tpu.vector_store %arg8[%parallel_loop3A_167, %parallel_loop3A_168], %parallel_loop3A_166 {strides = array<i32>} : memref<128x224xf32, #tpu.memory_space<vmem>>, vector<16xf32>,
        %parallel_loop3A_170 = tpu.vector_load_idx %arg6[%parallel_loop3A_121, %get3A_27] : memref<128x224xf32, #tpu.memory_space<vmem>>[vector<16xi32>, vector<16xi32>], vector<16xf32>,
        %parallel_loop3A_171 = arith.index_cast %parallel_loop3A_120 : i32 to index
        %parallel_loop3A_172 = arith.constant 192 : index
        %parallel_loop3A_173 = tpu.vector_load %arg8[%parallel_loop3A_171, %parallel_loop3A_172] {strides = array<i32>} : memref<128x224xf32, #tpu.memory_space<vmem>>, vector<16xf32>,
        tpu.vector_store %arg8[%parallel_loop3A_171, %parallel_loop3A_172], %parallel_loop3A_170 {strides = array<i32>} : memref<128x224xf32, #tpu.memory_space<vmem>>, vector<16xf32>,
        %parallel_loop3A_174 = tpu.vector_load_idx %arg6[%parallel_loop3A_121, %get3A_29] : memref<128x224xf32, #tpu.memory_space<vmem>>[vector<16xi32>, vector<16xi32>], vector<16xf32>,
        %parallel_loop3A_175 = arith.index_cast %parallel_loop3A_120 : i32 to index
        %parallel_loop3A_176 = arith.constant 208 : index
        %parallel_loop3A_177 = tpu.vector_load %arg8[%parallel_loop3A_175, %parallel_loop3A_176] {strides = array<i32>} : memref<128x224xf32, #tpu.memory_space<vmem>>, vector<16xf32>,
        tpu.vector_store %arg8[%parallel_loop3A_175, %parallel_loop3A_176], %parallel_loop3A_174 {strides = array<i32>} : memref<128x224xf32, #tpu.memory_space<vmem>>, vector<16xf32>,
      } {sc.loop_unroll_factor = 4 : i64, sc.parallel_access}
      %add3A_75 = arith.addi %mul3A_2, %add3A_64 : i32
      %mul3A_76 = arith.constant 128 : i32
      %mul3A_77 = arith.muli %add3A_75, %mul3A_76 : i32
      %dma_start3A_78 = arith.constant 0 : i32
      %dma_start3A_79 = tpu.memref_slice %arg4[%mul3A_77, %dma_start3A_78] : memref<344064x224xf32, #tpu.memory_space<hbm>> -> memref<128x224xf32, #tpu.memory_space<hbm>>
      %dma_start3A_80 = arith.constant 0 : i32
      %dma_start3A_81 = tpu.memref_slice %arg4[%mul3A_77, %dma_start3A_80] : memref<344064x224xf32, #tpu.memory_space<hbm>> -> memref<128x224xf32, #tpu.memory_space<hbm>>
      tpu.enqueue_dma source(%arg8 : memref<128x224xf32, #tpu.memory_space<vmem>>) target(%dma_start3A_81 : memref<128x224xf32, #tpu.memory_space<hbm>>) target_semaphore(%arg12 : memref<!tpu.dma_semaphore, #tpu.memory_space<semaphore_mem>>)
      %add3A_82 = arith.constant 2 : i32
      %add3A_83 = arith.addi %add3A_64, %add3A_82 : i32
      %lt3A = arith.constant 84 : i32
      %lt3A_84 = arith.cmpi slt, %add3A_83, %lt3A : i32
      %convert_element_type3A_85 = arith.extui %lt3A_84 : i1 to i32
      %cond3A_86 = arith.constant 0 : i32
      %cond3A_87 = arith.cmpi ne, %convert_element_type3A_85, %cond3A_86 : i32
      scf.if %cond3A_87 {
        %add3A_120 = arith.constant 2 : i32
        %add3A_121 = arith.addi %add3A_64, %add3A_120 : i32
        %add3A_122 = arith.addi %mul3A_2, %add3A_121 : i32
        %mul3A_123 = arith.constant 128 : i32
        %mul3A_124 = arith.muli %add3A_122, %mul3A_123 : i32
        %dma_start3A_125 = arith.constant 0 : i32
        %dma_start3A_126 = tpu.memref_slice %arg2[%mul3A_124, %dma_start3A_125] : memref<344064x224xf32, #tpu.memory_space<hbm>> -> memref<128x224xf32, #tpu.memory_space<hbm>>
        %dma_start3A_127 = arith.constant 0 : i32
        %dma_start3A_128 = tpu.memref_slice %arg2[%mul3A_124, %dma_start3A_127] : memref<344064x224xf32, #tpu.memory_space<hbm>> -> memref<128x224xf32, #tpu.memory_space<hbm>>
        tpu.enqueue_dma source(%dma_start3A_128 : memref<128x224xf32, #tpu.memory_space<hbm>>) target(%arg6 : memref<128x224xf32, #tpu.memory_space<vmem>>) target_semaphore(%arg10 : memref<!tpu.dma_semaphore, #tpu.memory_space<semaphore_mem>>)
      } else {
      }
      %mul3A_88 = arith.constant 2 : i32
      %mul3A_89 = arith.muli %mul3A_88, %scan3A_60 : i32
      %add3A_90 = arith.constant 1 : i32
      %add3A_91 = arith.addi %mul3A_89, %add3A_90 : i32
      %dma_wait3A_92 = arith.constant 0 : i32
      %dma_wait3A_93 = arith.constant 0 : i32
      %dma_wait3A_94 = tpu.memref_slice %arg2[%dma_wait3A_92, %dma_wait3A_93] : memref<344064x224xf32, #tpu.memory_space<hbm>> -> memref<128x224xf32, #tpu.memory_space<hbm>>
      %dma_wait3A_95 = arith.constant 0 : i32
      %dma_wait3A_96 = arith.constant 0 : i32
      %dma_wait3A_97 = tpu.memref_slice %arg2[%dma_wait3A_95, %dma_wait3A_96] : memref<344064x224xf32, #tpu.memory_space<hbm>> -> memref<128x224xf32, #tpu.memory_space<hbm>>
      tpu.wait_dma2 semaphore(%arg11 : memref<!tpu.dma_semaphore, #tpu.memory_space<semaphore_mem>>) src(%dma_wait3A_97 : memref<128x224xf32, #tpu.memory_space<hbm>>) dst(%arg7 : memref<128x224xf32, #tpu.memory_space<vmem>>)
      %gt3A_98 = arith.constant 0 : i32
      %gt3A_99 = arith.cmpi sgt, %scan3A_60, %gt3A_98 : i32
      %convert_element_type3A_100 = arith.extui %gt3A_99 : i1 to i32
      %cond3A_101 = arith.constant 0 : i32
      %cond3A_102 = arith.cmpi ne, %convert_element_type3A_100, %cond3A_101 : i32
      scf.if %cond3A_102 {
        %dma_wait3A_120 = arith.constant 0 : i32
        %dma_wait3A_121 = arith.constant 0 : i32
        %dma_wait3A_122 = tpu.memref_slice %arg4[%dma_wait3A_120, %dma_wait3A_121] : memref<344064x224xf32, #tpu.memory_space<hbm>> -> memref<128x224xf32, #tpu.memory_space<hbm>>
        %dma_wait3A_123 = arith.constant 0 : i32
        %dma_wait3A_124 = arith.constant 0 : i32
        %dma_wait3A_125 = tpu.memref_slice %arg4[%dma_wait3A_123, %dma_wait3A_124] : memref<344064x224xf32, #tpu.memory_space<hbm>> -> memref<128x224xf32, #tpu.memory_space<hbm>>
        tpu.wait_dma2 semaphore(%arg13 : memref<!tpu.dma_semaphore, #tpu.memory_space<semaphore_mem>>) src(%arg9 : memref<128x224xf32, #tpu.memory_space<vmem>>) dst(%dma_wait3A_125 : memref<128x224xf32, #tpu.memory_space<hbm>>)
      } else {
      }
      %parallel_loop3A_103 = arith.constant 0 : i32
      %parallel_loop3A_104 = arith.constant 128 : i32
      %parallel_loop3A_105 = arith.constant 1 : i32
      scf.for %parallel_loop3A_120 = %parallel_loop3A_103 to %parallel_loop3A_104 step %parallel_loop3A_105  : i32 {
        %parallel_loop3A_121 = vector.broadcast %parallel_loop3A_120 : i32 to vector<16xi32>
        %parallel_loop3A_122 = tpu.vector_load_idx %arg7[%parallel_loop3A_121, %get3A_3] : memref<128x224xf32, #tpu.memory_space<vmem>>[vector<16xi32>, vector<16xi32>], vector<16xf32>,
        %parallel_loop3A_123 = arith.index_cast %parallel_loop3A_120 : i32 to index
        %parallel_loop3A_124 = arith.constant 0 : index
        %parallel_loop3A_125 = tpu.vector_load %arg9[%parallel_loop3A_123, %parallel_loop3A_124] {strides = array<i32>} : memref<128x224xf32, #tpu.memory_space<vmem>>, vector<16xf32>,
        tpu.vector_store %arg9[%parallel_loop3A_123, %parallel_loop3A_124], %parallel_loop3A_122 {strides = array<i32>} : memref<128x224xf32, #tpu.memory_space<vmem>>, vector<16xf32>,
        %parallel_loop3A_126 = tpu.vector_load_idx %arg7[%parallel_loop3A_121, %get3A_5] : memref<128x224xf32, #tpu.memory_space<vmem>>[vector<16xi32>, vector<16xi32>], vector<16xf32>,
        %parallel_loop3A_127 = arith.index_cast %parallel_loop3A_120 : i32 to index
        %parallel_loop3A_128 = arith.constant 16 : index
        %parallel_loop3A_129 = tpu.vector_load %arg9[%parallel_loop3A_127, %parallel_loop3A_128] {strides = array<i32>} : memref<128x224xf32, #tpu.memory_space<vmem>>, vector<16xf32>,
        tpu.vector_store %arg9[%parallel_loop3A_127, %parallel_loop3A_128], %parallel_loop3A_126 {strides = array<i32>} : memref<128x224xf32, #tpu.memory_space<vmem>>, vector<16xf32>,
        %parallel_loop3A_130 = tpu.vector_load_idx %arg7[%parallel_loop3A_121, %get3A_7] : memref<128x224xf32, #tpu.memory_space<vmem>>[vector<16xi32>, vector<16xi32>], vector<16xf32>,
        %parallel_loop3A_131 = arith.index_cast %parallel_loop3A_120 : i32 to index
        %parallel_loop3A_132 = arith.constant 32 : index
        %parallel_loop3A_133 = tpu.vector_load %arg9[%parallel_loop3A_131, %parallel_loop3A_132] {strides = array<i32>} : memref<128x224xf32, #tpu.memory_space<vmem>>, vector<16xf32>,
        tpu.vector_store %arg9[%parallel_loop3A_131, %parallel_loop3A_132], %parallel_loop3A_130 {strides = array<i32>} : memref<128x224xf32, #tpu.memory_space<vmem>>, vector<16xf32>,
        %parallel_loop3A_134 = tpu.vector_load_idx %arg7[%parallel_loop3A_121, %get3A_9] : memref<128x224xf32, #tpu.memory_space<vmem>>[vector<16xi32>, vector<16xi32>], vector<16xf32>,
        %parallel_loop3A_135 = arith.index_cast %parallel_loop3A_120 : i32 to index
        %parallel_loop3A_136 = arith.constant 48 : index
        %parallel_loop3A_137 = tpu.vector_load %arg9[%parallel_loop3A_135, %parallel_loop3A_136] {strides = array<i32>} : memref<128x224xf32, #tpu.memory_space<vmem>>, vector<16xf32>,
        tpu.vector_store %arg9[%parallel_loop3A_135, %parallel_loop3A_136], %parallel_loop3A_134 {strides = array<i32>} : memref<128x224xf32, #tpu.memory_space<vmem>>, vector<16xf32>,
        %parallel_loop3A_138 = tpu.vector_load_idx %arg7[%parallel_loop3A_121, %get3A_11] : memref<128x224xf32, #tpu.memory_space<vmem>>[vector<16xi32>, vector<16xi32>], vector<16xf32>,
        %parallel_loop3A_139 = arith.index_cast %parallel_loop3A_120 : i32 to index
        %parallel_loop3A_140 = arith.constant 64 : index
        %parallel_loop3A_141 = tpu.vector_load %arg9[%parallel_loop3A_139, %parallel_loop3A_140] {strides = array<i32>} : memref<128x224xf32, #tpu.memory_space<vmem>>, vector<16xf32>,
        tpu.vector_store %arg9[%parallel_loop3A_139, %parallel_loop3A_140], %parallel_loop3A_138 {strides = array<i32>} : memref<128x224xf32, #tpu.memory_space<vmem>>, vector<16xf32>,
        %parallel_loop3A_142 = tpu.vector_load_idx %arg7[%parallel_loop3A_121, %get3A_13] : memref<128x224xf32, #tpu.memory_space<vmem>>[vector<16xi32>, vector<16xi32>], vector<16xf32>,
        %parallel_loop3A_143 = arith.index_cast %parallel_loop3A_120 : i32 to index
        %parallel_loop3A_144 = arith.constant 80 : index
        %parallel_loop3A_145 = tpu.vector_load %arg9[%parallel_loop3A_143, %parallel_loop3A_144] {strides = array<i32>} : memref<128x224xf32, #tpu.memory_space<vmem>>, vector<16xf32>,
        tpu.vector_store %arg9[%parallel_loop3A_143, %parallel_loop3A_144], %parallel_loop3A_142 {strides = array<i32>} : memref<128x224xf32, #tpu.memory_space<vmem>>, vector<16xf32>,
        %parallel_loop3A_146 = tpu.vector_load_idx %arg7[%parallel_loop3A_121, %get3A_15] : memref<128x224xf32, #tpu.memory_space<vmem>>[vector<16xi32>, vector<16xi32>], vector<16xf32>,
        %parallel_loop3A_147 = arith.index_cast %parallel_loop3A_120 : i32 to index
        %parallel_loop3A_148 = arith.constant 96 : index
        %parallel_loop3A_149 = tpu.vector_load %arg9[%parallel_loop3A_147, %parallel_loop3A_148] {strides = array<i32>} : memref<128x224xf32, #tpu.memory_space<vmem>>, vector<16xf32>,
        tpu.vector_store %arg9[%parallel_loop3A_147, %parallel_loop3A_148], %parallel_loop3A_146 {strides = array<i32>} : memref<128x224xf32, #tpu.memory_space<vmem>>, vector<16xf32>,
        %parallel_loop3A_150 = tpu.vector_load_idx %arg7[%parallel_loop3A_121, %get3A_17] : memref<128x224xf32, #tpu.memory_space<vmem>>[vector<16xi32>, vector<16xi32>], vector<16xf32>,
        %parallel_loop3A_151 = arith.index_cast %parallel_loop3A_120 : i32 to index
        %parallel_loop3A_152 = arith.constant 112 : index
        %parallel_loop3A_153 = tpu.vector_load %arg9[%parallel_loop3A_151, %parallel_loop3A_152] {strides = array<i32>} : memref<128x224xf32, #tpu.memory_space<vmem>>, vector<16xf32>,
        tpu.vector_store %arg9[%parallel_loop3A_151, %parallel_loop3A_152], %parallel_loop3A_150 {strides = array<i32>} : memref<128x224xf32, #tpu.memory_space<vmem>>, vector<16xf32>,
        %parallel_loop3A_154 = tpu.vector_load_idx %arg7[%parallel_loop3A_121, %get3A_19] : memref<128x224xf32, #tpu.memory_space<vmem>>[vector<16xi32>, vector<16xi32>], vector<16xf32>,
        %parallel_loop3A_155 = arith.index_cast %parallel_loop3A_120 : i32 to index
        %parallel_loop3A_156 = arith.constant 128 : index
        %parallel_loop3A_157 = tpu.vector_load %arg9[%parallel_loop3A_155, %parallel_loop3A_156] {strides = array<i32>} : memref<128x224xf32, #tpu.memory_space<vmem>>, vector<16xf32>,
        tpu.vector_store %arg9[%parallel_loop3A_155, %parallel_loop3A_156], %parallel_loop3A_154 {strides = array<i32>} : memref<128x224xf32, #tpu.memory_space<vmem>>, vector<16xf32>,
        %parallel_loop3A_158 = tpu.vector_load_idx %arg7[%parallel_loop3A_121, %get3A_21] : memref<128x224xf32, #tpu.memory_space<vmem>>[vector<16xi32>, vector<16xi32>], vector<16xf32>,
        %parallel_loop3A_159 = arith.index_cast %parallel_loop3A_120 : i32 to index
        %parallel_loop3A_160 = arith.constant 144 : index
        %parallel_loop3A_161 = tpu.vector_load %arg9[%parallel_loop3A_159, %parallel_loop3A_160] {strides = array<i32>} : memref<128x224xf32, #tpu.memory_space<vmem>>, vector<16xf32>,
        tpu.vector_store %arg9[%parallel_loop3A_159, %parallel_loop3A_160], %parallel_loop3A_158 {strides = array<i32>} : memref<128x224xf32, #tpu.memory_space<vmem>>, vector<16xf32>,
        %parallel_loop3A_162 = tpu.vector_load_idx %arg7[%parallel_loop3A_121, %get3A_23] : memref<128x224xf32, #tpu.memory_space<vmem>>[vector<16xi32>, vector<16xi32>], vector<16xf32>,
        %parallel_loop3A_163 = arith.index_cast %parallel_loop3A_120 : i32 to index
        %parallel_loop3A_164 = arith.constant 160 : index
        %parallel_loop3A_165 = tpu.vector_load %arg9[%parallel_loop3A_163, %parallel_loop3A_164] {strides = array<i32>} : memref<128x224xf32, #tpu.memory_space<vmem>>, vector<16xf32>,
        tpu.vector_store %arg9[%parallel_loop3A_163, %parallel_loop3A_164], %parallel_loop3A_162 {strides = array<i32>} : memref<128x224xf32, #tpu.memory_space<vmem>>, vector<16xf32>,
        %parallel_loop3A_166 = tpu.vector_load_idx %arg7[%parallel_loop3A_121, %get3A_25] : memref<128x224xf32, #tpu.memory_space<vmem>>[vector<16xi32>, vector<16xi32>], vector<16xf32>,
        %parallel_loop3A_167 = arith.index_cast %parallel_loop3A_120 : i32 to index
        %parallel_loop3A_168 = arith.constant 176 : index
        %parallel_loop3A_169 = tpu.vector_load %arg9[%parallel_loop3A_167, %parallel_loop3A_168] {strides = array<i32>} : memref<128x224xf32, #tpu.memory_space<vmem>>, vector<16xf32>,
        tpu.vector_store %arg9[%parallel_loop3A_167, %parallel_loop3A_168], %parallel_loop3A_166 {strides = array<i32>} : memref<128x224xf32, #tpu.memory_space<vmem>>, vector<16xf32>,
        %parallel_loop3A_170 = tpu.vector_load_idx %arg7[%parallel_loop3A_121, %get3A_27] : memref<128x224xf32, #tpu.memory_space<vmem>>[vector<16xi32>, vector<16xi32>], vector<16xf32>,
        %parallel_loop3A_171 = arith.index_cast %parallel_loop3A_120 : i32 to index
        %parallel_loop3A_172 = arith.constant 192 : index
        %parallel_loop3A_173 = tpu.vector_load %arg9[%parallel_loop3A_171, %parallel_loop3A_172] {strides = array<i32>} : memref<128x224xf32, #tpu.memory_space<vmem>>, vector<16xf32>,
        tpu.vector_store %arg9[%parallel_loop3A_171, %parallel_loop3A_172], %parallel_loop3A_170 {strides = array<i32>} : memref<128x224xf32, #tpu.memory_space<vmem>>, vector<16xf32>,
        %parallel_loop3A_174 = tpu.vector_load_idx %arg7[%parallel_loop3A_121, %get3A_29] : memref<128x224xf32, #tpu.memory_space<vmem>>[vector<16xi32>, vector<16xi32>], vector<16xf32>,
        %parallel_loop3A_175 = arith.index_cast %parallel_loop3A_120 : i32 to index
        %parallel_loop3A_176 = arith.constant 208 : index
        %parallel_loop3A_177 = tpu.vector_load %arg9[%parallel_loop3A_175, %parallel_loop3A_176] {strides = array<i32>} : memref<128x224xf32, #tpu.memory_space<vmem>>, vector<16xf32>,
        tpu.vector_store %arg9[%parallel_loop3A_175, %parallel_loop3A_176], %parallel_loop3A_174 {strides = array<i32>} : memref<128x224xf32, #tpu.memory_space<vmem>>, vector<16xf32>,
      } {sc.loop_unroll_factor = 4 : i64, sc.parallel_access}
      %add3A_106 = arith.addi %mul3A_2, %add3A_91 : i32
      %mul3A_107 = arith.constant 128 : i32
      %mul3A_108 = arith.muli %add3A_106, %mul3A_107 : i32
      %dma_start3A_109 = arith.constant 0 : i32
      %dma_start3A_110 = tpu.memref_slice %arg4[%mul3A_108, %dma_start3A_109] : memref<344064x224xf32, #tpu.memory_space<hbm>> -> memref<128x224xf32, #tpu.memory_space<hbm>>
      %dma_start3A_111 = arith.constant 0 : i32
      %dma_start3A_112 = tpu.memref_slice %arg4[%mul3A_108, %dma_start3A_111] : memref<344064x224xf32, #tpu.memory_space<hbm>> -> memref<128x224xf32, #tpu.memory_space<hbm>>
      tpu.enqueue_dma source(%arg9 : memref<128x224xf32, #tpu.memory_space<vmem>>) target(%dma_start3A_112 : memref<128x224xf32, #tpu.memory_space<hbm>>) target_semaphore(%arg13 : memref<!tpu.dma_semaphore, #tpu.memory_space<semaphore_mem>>)
      %add3A_113 = arith.constant 2 : i32
      %add3A_114 = arith.addi %add3A_91, %add3A_113 : i32
      %lt3A_115 = arith.constant 84 : i32
      %lt3A_116 = arith.cmpi slt, %add3A_114, %lt3A_115 : i32
      %convert_element_type3A_117 = arith.extui %lt3A_116 : i1 to i32
      %cond3A_118 = arith.constant 0 : i32
      %cond3A_119 = arith.cmpi ne, %convert_element_type3A_117, %cond3A_118 : i32
      scf.if %cond3A_119 {
        %add3A_120 = arith.constant 2 : i32
        %add3A_121 = arith.addi %add3A_91, %add3A_120 : i32
        %add3A_122 = arith.addi %mul3A_2, %add3A_121 : i32
        %mul3A_123 = arith.constant 128 : i32
        %mul3A_124 = arith.muli %add3A_122, %mul3A_123 : i32
        %dma_start3A_125 = arith.constant 0 : i32
        %dma_start3A_126 = tpu.memref_slice %arg2[%mul3A_124, %dma_start3A_125] : memref<344064x224xf32, #tpu.memory_space<hbm>> -> memref<128x224xf32, #tpu.memory_space<hbm>>
        %dma_start3A_127 = arith.constant 0 : i32
        %dma_start3A_128 = tpu.memref_slice %arg2[%mul3A_124, %dma_start3A_127] : memref<344064x224xf32, #tpu.memory_space<hbm>> -> memref<128x224xf32, #tpu.memory_space<hbm>>
        tpu.enqueue_dma source(%dma_start3A_128 : memref<128x224xf32, #tpu.memory_space<hbm>>) target(%arg7 : memref<128x224xf32, #tpu.memory_space<vmem>>) target_semaphore(%arg11 : memref<!tpu.dma_semaphore, #tpu.memory_space<semaphore_mem>>)
      } else {
      }
    }
    %scan3A_48 = arith.constant 42 : i32
    %dma_wait3A = arith.constant 0 : i32
    %dma_wait3A_49 = arith.constant 0 : i32
    %dma_wait3A_50 = tpu.memref_slice %arg4[%dma_wait3A, %dma_wait3A_49] : memref<344064x224xf32, #tpu.memory_space<hbm>> -> memref<128x224xf32, #tpu.memory_space<hbm>>
    %dma_wait3A_51 = arith.constant 0 : i32
    %dma_wait3A_52 = arith.constant 0 : i32
    %dma_wait3A_53 = tpu.memref_slice %arg4[%dma_wait3A_51, %dma_wait3A_52] : memref<344064x224xf32, #tpu.memory_space<hbm>> -> memref<128x224xf32, #tpu.memory_space<hbm>>
    tpu.wait_dma2 semaphore(%arg12 : memref<!tpu.dma_semaphore, #tpu.memory_space<semaphore_mem>>) src(%arg8 : memref<128x224xf32, #tpu.memory_space<vmem>>) dst(%dma_wait3A_53 : memref<128x224xf32, #tpu.memory_space<hbm>>)
    %dma_wait3A_54 = arith.constant 0 : i32
    %dma_wait3A_55 = arith.constant 0 : i32
    %dma_wait3A_56 = tpu.memref_slice %arg4[%dma_wait3A_54, %dma_wait3A_55] : memref<344064x224xf32, #tpu.memory_space<hbm>> -> memref<128x224xf32, #tpu.memory_space<hbm>>
    %dma_wait3A_57 = arith.constant 0 : i32
    %dma_wait3A_58 = arith.constant 0 : i32
    %dma_wait3A_59 = tpu.memref_slice %arg4[%dma_wait3A_57, %dma_wait3A_58] : memref<344064x224xf32, #tpu.memory_space<hbm>> -> memref<128x224xf32, #tpu.memory_space<hbm>>
    tpu.wait_dma2 semaphore(%arg13 : memref<!tpu.dma_semaphore, #tpu.memory_space<semaphore_mem>>) src(%arg9 : memref<128x224xf32, #tpu.memory_space<vmem>>) dst(%dma_wait3A_59 : memref<128x224xf32, #tpu.memory_space<hbm>>)
    return
  }
}

</mosaic_0001>

<sc_bundles>
// kernel: kernel.3.cloned.1.call-start
scs
__scs_entry_jumppad:
0x0: {  	(pc) =	sbr.rel $0x88, $3  }
0x1: {  	(tag) =	ssettag $0x0;
	lr =	simm.s32 $0x1  }
0x2: {  	[smem:$0x3F9F] =	sst lr;
	_ =	strace $0xD0000000  }
0x3: {  	_ = 	snop  }
0x4: {  	_ = 	snop  }
0x5: {  	_ = 	snop  }
0x6: {  	_ = 	snop  }
0x7: {  	_ = 	snop  }
__scs_overlays_trampoline_lowered:
0x8: {  	[smem:$0x3FAE] =	sst s0  }
0x9: {  	[smem:$0x3FAF] =	sst s1  }
0xa: {  	[smem:$0x3FB0] =	sst s2  }
0xb: {  	[smem:$0x3FB1] =	sst s3  }
0xc: {  	[smem:$0x3FB2] =	sst s4  }
0xd: {  	[smem:$0x3FB3] =	sst s5  }
0xe: {  	[smem:$0x3FB4] =	sst s6  }
0xf: {  	[smem:$0x3FB5] =	sst s7  }
0x10: {  	[smem:$0x3FB6] =	sst s8  }
0x11: {  	[smem:$0x3FB7] =	sst s9;
	s0 =	simm.s32 @!p0 $0x0  }
0x12: {  	s1 =	sld [smem:$0x3F9D];
	s0 =	simm.s32 @p0 $0x1  }
0x13: {  	[smem:$0x3FB8] =	sst s0;
	s0 =	simm.s32 @!p1 $0x0  }
0x14: {  	s2 =	sld [smem:$0x3F9C];
	s0 =	simm.s32 @p1 $0x1  }
0x15: {  	[smem:$0x3FB9] =	sst s0;
	s0 =	simm.s32 @!p2 $0x0  }
0x16: {  	s3 =	sld [smem:$0x3FDB];
	s0 =	simm.s32 @p2 $0x1  }
0x17: {  	s4 =	simm.s32 $0x1BF5;
	[smem:$0x3FBB] =	sst s0  }
0x18: {  	s0 =	sld [smem:$0x3F9E];
	_ =	swait.ge [sflag:s4], $0x0  }
0x19: {  	s7 =	sld [smem:$0x3F9F]  }
0x1a: {  	s8 =	sadd.s32 $0xFFFFE003, lr  }
0x1b: {  	s9 =	sadd.s32 $0xFFFFFEF7, lr;
	s5 =	simm.s32 $0xFFFFFFFF;
	p2 =	slt.u32 s8, $0xFFFFF086  }
0x1c: {  	p1 =	slt.u32 s9, $0xF7A;
	s5 =	simm.s32 @!p2 $0x0  }
0x1d: {  	s5 =	simm.s32 @p1 $0x1;
	p0 =	seq.s32 s7, s2  }
0x1e: {  	s7 =	smul.u32 @!p0 $0xF7A, s2;
	p2 =	seq.s32 @!p0 s5, $0x0  }
0x1f: {  	s9 =	smul.u32 $0xF7A, s1;
	s8 =	simm.s32 @!p0 $0x1BF5;
	p2 =	por !p2, p0  }
0x20: {  	[sflag:s8] =	ssyncset.s32 @!p0 $0xFFFFF086;
	s6 =	sadd.s32 @!p0 s3, s7;
	s7 =	simm.s32 @!p0 $0x108  }
0x21: {  	s3 =	sadd.s32 s3, s9;
	s6 =	sadd.s32 @!p0 $0x88, s6;
	s7 =	simm.s32 @p2 $0x1082  }
0x22: {  	[simem:s7], [sflag:s8] =	dma.local @!p0 [hbm:s6], $0xF7A  }
0x23: {  	s9 =	sor.u32 $0xD0000000, s2;
	s6 =	simm.s32 $0x108;
	_ =	swait.ge @!p0 [sflag:s8], $0x0  }
0x24: {  	s3 =	sadd.s32 $0x88, s3;
	s6 =	simm.s32 @!p1 $0x1082;
	[sflag:s4] =	ssyncset.s32 $0xFFFFF086  }
0x25: {  	[simem:s6], [sflag:s4] =	dma.local [hbm:s3], $0xF7A  }
0x26: {  	[smem:$0x3F9F] =	sst s1;
	(tag) =	ssettag s2;
	_ =	strace s9  }
0x27: {  	s1 =	sld [smem:$0x3FAF]  }
0x28: {  	s2 =	sld [smem:$0x3FB0]  }
0x29: {  	s4 =	sld [smem:$0x3FB2]  }
0x2a: {  	p0 =	seq.s32 s5, $0x0;
	s5 =	sld [smem:$0x3FB3]  }
0x2b: {  	s6 =	sld [smem:$0x3FB4]  }
0x2c: {  	s7 =	sld [smem:$0x3FB5]  }
0x2d: {  	s3 =	simm.s32 $0x108;
	s8 =	sld [smem:$0x3FB6]  }
0x2e: {  	s3 =	simm.s32 @!p0 $0x1082;
	s9 =	sld [smem:$0x3FB7]  }
0x2f: {  	lr =	sadd.s32 s0, s3;
	s0 =	sld [smem:$0x3FAE]  }
0x30: {  	s3 =	sld [smem:$0x3FB1]  }
0x31: {  	[smem:$0x3FBA] =	sst s10  }
0x32: {  	s10 =	sld [smem:$0x3FB8];
	_ =	sdelay $0x3  }
0x33: {  	p0 =	seq.s32 s10, $0x1;
	s10 =	sld [smem:$0x3FBA];
	_ =	sdelay $0x3  }
0x34: {  	[smem:$0x3FBA] =	sst s10  }
0x35: {  	s10 =	sld [smem:$0x3FB9];
	_ =	sdelay $0x3  }
0x36: {  	p1 =	seq.s32 s10, $0x1;
	s10 =	sld [smem:$0x3FBA];
	_ =	sdelay $0x3  }
0x37: {  	[smem:$0x3FBA] =	sst s10  }
0x38: {  	s10 =	sld [smem:$0x3FBB]  }
0x39: {  	_ = 	snop;
	(pc) =	sbr.ind lr, $3  }
0x3a: {  	_ = 	snop  }
0x3b: {  	_ = 	snop  }
0x3c: {  	p2 =	seq.s32 s10, $0x1;
	s10 =	sld [smem:$0x3FBA]  }
0x3d: {  	_ =	shalt  }
0x3e: {  	_ =	shalt  }
0x3f: {  	_ =	shalt  }
0x40: {  	_ =	shalt  }
0x41: {  	_ =	shalt  }
0x42: {  	_ =	shalt  }
0x43: {  	_ =	shalt  }
0x44: {  	_ =	shalt  }
0x45: {  	_ =	shalt  }
0x46: {  	_ =	shalt  }
0x47: {  	_ =	shalt  }
0x48: {  	_ =	shalt  }
0x49: {  	_ =	shalt  }
0x4a: {  	_ =	shalt  }
0x4b: {  	_ =	shalt  }
0x4c: {  	_ =	shalt  }
0x4d: {  	_ =	shalt  }
0x4e: {  	_ =	shalt  }
0x4f: {  	_ =	shalt  }
0x50: {  	_ =	shalt  }
0x51: {  	_ =	shalt  }
0x52: {  	_ =	shalt  }
0x53: {  	_ =	shalt  }
0x54: {  	_ =	shalt  }
0x55: {  	_ =	shalt  }
0x56: {  	_ =	shalt  }
0x57: {  	_ =	shalt  }
0x58: {  	_ =	shalt  }
0x59: {  	_ =	shalt  }
0x5a: {  	_ =	shalt  }
0x5b: {  	_ =	shalt  }
0x5c: {  	_ =	shalt  }
0x5d: {  	_ =	shalt  }
0x5e: {  	_ =	shalt  }
0x5f: {  	_ =	shalt  }
0x60: {  	_ =	shalt  }
0x61: {  	_ =	shalt  }
0x62: {  	_ =	shalt  }
0x63: {  	_ =	shalt  }
0x64: {  	_ =	shalt  }
0x65: {  	_ =	shalt  }
0x66: {  	_ =	shalt  }
0x67: {  	_ =	shalt  }
0x68: {  	_ =	shalt  }
0x69: {  	_ =	shalt  }
0x6a: {  	_ =	shalt  }
0x6b: {  	_ =	shalt  }
0x6c: {  	_ =	shalt  }
0x6d: {  	_ =	shalt  }
0x6e: {  	_ =	shalt  }
0x6f: {  	_ =	shalt  }
0x70: {  	_ =	shalt  }
0x71: {  	_ =	shalt  }
0x72: {  	_ =	shalt  }
0x73: {  	_ =	shalt  }
0x74: {  	_ =	shalt  }
0x75: {  	_ =	shalt  }
0x76: {  	_ =	shalt  }
0x77: {  	_ =	shalt  }
0x78: {  	_ =	shalt  }
0x79: {  	_ =	shalt  }
0x7a: {  	_ =	shalt  }
0x7b: {  	_ =	shalt  }
0x7c: {  	_ =	shalt  }
0x7d: {  	_ =	shalt  }
0x7e: {  	_ =	shalt  }
0x7f: {  	_ =	shalt  }
0x80: {  	_ =	shalt  }
0x81: {  	_ =	shalt  }
0x82: {  	_ =	shalt  }
0x83: {  	_ =	shalt  }
0x84: {  	_ =	shalt  }
0x85: {  	_ =	shalt  }
0x86: {  	_ =	shalt  }
0x87: {  	_ =	shalt  }
.Lfunc_end0:
.L_simem_size_0:
called_computation_lowered:
.L_overlay_start_0:
0x88: {  	s2 =	sld [smem:$0x3FD9]  }
0x89: {  	s3 =	sld [smem:$0x3FFE];
	_ =	sdelay $0x1  }
0x8a: {  	s1 =	srdreg.scid  }
0x8b: {  	s0 =	sand.u32 $0x1, s1  }
0x8c: {  	s17 =	sshll.u32 s0, $0xA;
	s2 =	sadd.s32 s3, s2  }
0x8d: {  	s2 =	sadd.s32 s2, s17  }
0x8e: {  	[smem:$0x3FC6] =	sst s2  }
0x8f: {  	_ = 	snop  }
0x90: {  	s2 =	sld [smem:$0x3FC8]  }
0x91: {  	s18 =	sld [smem:$0x3FD0];
	(tm) =	ssettm $0x1  }
0x92: {  	s4 =	sld [smem:$0x3FFB];
	_ =	sdelay $0x3  }
0x93: {  	_ =	strace s4  }
0x94: {  	s4 =	sld [smem:$0x3FFC];
	_ =	sdelay $0x3  }
0x95: {  	_ =	strace s4  }
0x96: {  	s4 =	sld [smem:$0x3FFD];
	_ =	sdelay $0x3  }
0x97: {  	_ =	strace s4  }
0x98: {  	_ =	strace $0x8FFFFFFF  }
0x99: {  	s19 =	sld [smem:$0x3FDB];
	_ =	sdelay $0x1  }
0x9a: {  	s5 =	simm.s32 $_scs_section_size  }
0x9b: {  	s6 =	simm.s32 $_size__tile_overlayer_lowered;
	s7 =	simm.s32 $_tile_overlayer_lowered  }
0x9c: {  	s22 =	simm.s32 $0x1BFF;
	s21 =	sshll.u32 s7, $0x1;
	s4 =	sadd.s32 s5, s19  }
0x9d: {  	s8 =	simm.s32 $0x0;
	s20 =	sshll.u32 s6, $0x1;
	s6 =	sadd.s32 s21, s4  }
0x9e: {  	[timem:s8], [sflag:s22] =	dma.local [hbm:s6], s20  }
0x9f: {  	_ =	swait.ge [sflag:s22], s20  }
0xa0: {  	s5 =	ssub.s32 $0x0, s20;
	[sflag:s22] =	ssyncset.done $0x0  }
0xa1: {  	[sflag:s22] =	ssyncadd.s32 s5;
	_ =	sdelay $0x1  }
0xa2: {  	s23 =	simm.s32 $0x1B8B  }
0xa3: {  	_ =	swait.ge [sflag:s23], $0x1  }
0xa4: {  	[sflag:s23] =	ssyncset.done $0x0  }
0xa5: {  	s25 =	simm.s32 $0x1B8E;
	s24 =	sld [smem:$0x3FFE];
	[sflag:s23] =	ssyncadd.s32 $0xFFFFFFFF  }
0xa6: {  	s26 =	simm.s32 $execute0_lowered;
	[smem:$0x3FD2] =	sst s25  }
0xa7: {  	s6 =	sshll.u32 s26, $0x1;
	_ =	strace $0x80000046;
	[dreg:$0x1] =	wrdreg $0xFFFFFFFF  }
0xa8: {  	s28 =	simm.s32 $_size_execute0_lowered;
	s4 =	sadd.s32 s4, s6;
	[dreg:$0x0] =	wrdreg $0x0  }
0xa9: {  	s6 =	sshll.u32 s28, $0x1;
	[dreg:$0x2] =	wrdreg s4  }
0xaa: {  	[dreg:$0x3] =	wrdreg s6  }
0xab: {  	[dreg:$0x4] =	wrdreg $0xC0  }
0xac: {  	_ =	task [dreg:s8], $0x5FFFF  }
0xad: {  	[dreg:$0x1] =	wrdreg $0xFFFFFFFF  }
0xae: {  	[dreg:$0x0] =	wrdreg $0x60  }
0xaf: {  	[dreg:$0x2] =	wrdreg s18  }
0xb0: {  	[dreg:$0x3] =	wrdreg s2  }
0xb1: {  	[dreg:$0x4] =	wrdreg s24  }
0xb2: {  	[dreg:$0x5] =	wrdreg $0x9  }
0xb3: {  	_ =	task.clear_ibuf [dreg:s8], $0x6FFFF;
	_ =	strace $0x90000046  }
0xb4: {  	s29 =	simm.s32 $0x9;
	_ =	strace $0x80000048  }
0xb5: {  	_ =	swait.ge [sflag:s29], $0x1  }
0xb6: {  	[sflag:s29] =	ssyncadd.s32 $0xFFFFFFFF  }
0xb7: {  	_ =	strace $0x90000048  }
0xb8: {  	_ =	sfence  }
0xb9: {  	s30 =	sld [smem:$0x0];
	_ =	sdelay $0x2  }
0xba: {  	s31 =	sshll.u32 s1, $0xD;
	s1 =	sshrl.u32 s1, $0x2  }
0xbb: {  	s3 =	sand.u32 $0x4000, s31;
	s1 =	sadd.s32 s1, s30  }
0xbc: {  	s0 =	sor.u32 s3, s0;
	s1 =	sshll.u32 s1, $0x11  }
0xbd: {  	s0 =	sor.u32 s1, s0  }
0xbe: {  	s0 =	sadd.s32 $0x8F2B, s0  }
0xbf: {  	[sflag:s0] =	ssyncadd.remote.s32 $0x1  }
0xc0: {  	_ =	sfence.sel $0xFFFF  }
0xc1: {  	[dreg:$0x0] =	wrdreg $0xFFFFFFFF;
	(pc) =	sbr.abs _section_cstart, $3  }
0xc2: {  	[dreg:$0x1] =	wrdreg $0xFFFFFFFF  }
0xc3: {  	_ =	task.clear_ibuf [dreg:s8], $0x2FFFF;
	_ =	strace $0x9FFFFFFF  }
0xc4: {  	(tm) =	ssettm $0x7FFFFFFF  }
0xc5: {  	_ =	shalt  }
tec
execute0_lowered:
.L_overlay_start_1:
0x0: {  	(tag) =	ssettag $0x1  }
0x1: {  	s1 =	rddreg [dreg:$0x0]  }
0x2: {  	s3 =	rddreg [dreg:$0x1]  }
0x3: {  	s5 =	rddreg [dreg:$0x2]  }
0x4: {  	s0 =	rddreg [dreg:$0x3];
	s6 =	srdreg.scid  }
0x5: {  	s2 =	stileid.u32;
	s4 =	simm.s32 $0x0;
	s13 =	simm.s32 $0x5  }
0x6: {  	s14 =	simm.s32 $0xE0;
	s15 =	simm.s32 $0x70E0;
	s16 =	simm.s32 $0x1  }
0x7: {  	s17 =	simm.s32 $0xE0E0;
	s6 =	sand.u32 $0x1, s6;
	s7 =	sshll.u32 s2, $0x1  }
0x8: {  	s18 =	simm.s32 $0x2;
	s19 =	simm.s32 $0x4;
	s7 =	sor.u32 s6, s7  }
0x9: {  	s20 =	simm.s32 $0x150E0;
	s21 =	simm.s32 $0x3;
	s8 =	smul.u32 $0x24C000, s7  }
0xa: {  	s22 =	simm.s32 $0x0;
	[smem:$0x7FF] =	sst s4;
	s10 =	smul.u32 $0x49800, s7  }
.Ltmp0:
0xb: {  	s5 =	sadd.s32 $0x400, s5;
	s9 =	ssub.s32 $0x2, s6;
	(pc) =	sbr.rel .LBB2_1-.Ltmp0, $4  }
0xc: {  	_ =	strace $0x80000047;
	s11 =	sshrl.u32 s9, $0x1;
	s6 =	smul.u32 $0x54, s7  }
0xd: {  	s12 =	ssub.s32 s9, s11;
	s8 =	sshrl.u32 s8, $0x3;
	s7 =	sadd.s32 s1, s10  }
0xe: {  	s9 =	sor.u32 $0x2, s6;
	s10 =	sor.u32 $0x1, s6;
	s8 =	sadd.s32 s1, s8  }
0xf: {  	s11 =	sor.u32 $0x3, s6;
	s12 =	smax.u32 s12, $0x1;
	s8 =	sadd.s32 $0xE00, s8  }
.LBB2_12:
0x10: {  	s22 =	sadd.s32 $0x1, s22  }
0x11: {  	_ =	swait.ge [sflag:s21], $0x7000;
	p0 =	sne.s32 s22, s12  }
.Ltmp1:
0x12: {  	[sflag:s21] =	ssyncset.done $0x0;
	(pc) =	sbr.rel @!p0 .LBB2_13-.Ltmp1, $4  }
0x13: {  	[sflag:s21] =	ssyncadd.s32 $0xFFFF9000  }
0x14: {  	_ =	swait.ge [sflag:s19], $0x7000  }
0x15: {  	[sflag:s19] =	ssyncset.done $0x0  }
0x16: {  	[sflag:s19] =	ssyncadd.s32 $0xFFFF9000  }
.LBB2_1:
0x17: {  	[tilespmem:s4], [sflag:$0x5] =	stream.linear.gather [hbm4b:s3+s4], $0xE0, $0x38;
	[tilespmem:$0x1C0E0] =	vst v63  }
0x18: {  	_ =	swait.ge [sflag:s13], $0xE0  }
0x19: {  	[sflag:s13] =	ssyncset.done $0x0  }
0x1a: {  	[sflag:s13] =	ssyncadd.s32 $0xFFFFFF20  }
0x1b: {  	v0 =	vld [tilespmem:$0x0]  }
0x1c: {  	v1 =	vld [tilespmem:$0x10]  }
0x1d: {  	v2 =	vld [tilespmem:$0x20]  }
0x1e: {  	v3 =	vld [tilespmem:$0x30]  }
0x1f: {  	v4 =	vld [tilespmem:$0x40]  }
0x20: {  	v5 =	vld [tilespmem:$0x50]  }
0x21: {  	v6 =	vld [tilespmem:$0x60]  }
0x22: {  	v7 =	vld [tilespmem:$0x70]  }
0x23: {  	v8 =	vld [tilespmem:$0x80]  }
0x24: {  	v9 =	vld [tilespmem:$0x90]  }
0x25: {  	v10 =	vld [tilespmem:$0xA0]  }
0x26: {  	v11 =	vld [tilespmem:$0xB0]  }
0x27: {  	v12 =	vld [tilespmem:$0xC0]  }
0x28: {  	v13 =	vld [tilespmem:$0xD0];
	[tilespmem:s14], [sflag:$0x1] =	stream.linear.gather [hbm4b:s7+s4], $0x7000, $0x38  }
0x29: {  	s23 =	simm.s32 $0x0  }
0x2a: {  	[tilespmem:s15], [sflag:$0x2] =	stream.linear.gather [hbm4b:s8+s4], $0x7000, $0x38;
	[tilespmem:$0x1C0E0] =	vst v63  }
.LBB2_2:
0x2b: {  	s24 =	simm.s32 $0x3  }
0x2c: {  	s25 =	simm.s32 $0x1;
	v14 =	vmov s24  }
0x2d: {  	v15 =	vmov s25;
	s25 =	simm.s32 $0x2;
	v14 =	vmul.u32 $0xE0, v14  }
0x2e: {  	s26 =	simm.s32 $0x0;
	v15 =	vmul.u32 $0xE0, v15;
	v16 =	vmov s25  }
0x2f: {  	v17 =	vmov s26;
	v16 =	vmul.u32 $0xE0, v16;
	v24 =	vbroadcast v14, $0x0  }
0x30: {  	_ =	swait.ge [sflag:s16], $0x7000;
	v14 =	vmul.u32 $0xE0, v17;
	v25 =	vbroadcast v15, $0x0  }
0x31: {  	p0 =	seq.s32 s23, $0x0;
	[sflag:s16] =	ssyncset.done $0x0;
	v20 =	vbroadcast v16, $0x0;
	v15 =	vadd.s32 v0, v24  }
0x32: {  	s24 =	simm.s32 @!p0 $0x3;
	[sflag:s16] =	ssyncadd.s32 $0xFFFF9000;
	v21 =	vbroadcast v14, $0x0;
	v14 =	vadd.s32 v0, v25  }
0x33: {  	_ =	swait.ge @!p0 [sflag:s24], $0x7000;
	v16 =	vadd.s32 v0, v20  }
0x34: {  	[sflag:s24] =	ssyncset.done @!p0 $0x0;
	v17 =	vadd.s32 v0, v21  }
0x35: {  	[sflag:s24] =	ssyncadd.s32 @!p0 $0xFFFF9000  }
0x36: {  	v15 =	vld.idx.msk [tilespmem:v15+s14+$0x0], $0xffff  }
0x37: {  	v18 =	vadd.s32 v1, v24;
	v14 =	vld.idx.msk [tilespmem:v14+s14+$0x0], $0xffff  }
0x38: {  	v19 =	vadd.s32 v1, v25;
	v16 =	vld.idx.msk [tilespmem:v16+s14+$0x0], $0xffff  }
0x39: {  	v22 =	vadd.s32 v1, v20;
	v17 =	vld.idx.msk [tilespmem:v17+s14+$0x0], $0xffff  }
0x3a: {  	s26 =	simm.s32 $0xE2A0;
	v23 =	vadd.s32 v1, v21  }
0x3b: {  	[tilespmem:s26+$0xE0] =	vst v15  }
0x3c: {  	[tilespmem:s26+$0xFFFFFF20] =	vst v14;
	v15 =	vld.idx.msk [tilespmem:v18+s14+$0x0], $0xffff  }
0x3d: {  	v14 =	vld.idx.msk [tilespmem:v19+s14+$0x0], $0xffff;
	[tilespmem:s26+$0x0] =	vst v16;
	v16 =	vadd.s32 v2, v24  }
0x3e: {  	v18 =	vadd.s32 v2, v25;
	[tilespmem:s26+$0xFFFFFE40] =	vst v17;
	v17 =	vld.idx.msk [tilespmem:v22+s14+$0x0], $0xffff  }
0x3f: {  	v22 =	vadd.s32 v2, v20;
	v19 =	vld.idx.msk [tilespmem:v23+s14+$0x0], $0xffff  }
0x40: {  	v23 =	vadd.s32 v2, v21  }
0x41: {  	[tilespmem:s26+$0xF0] =	vst v15  }
0x42: {  	[tilespmem:s26+$0xFFFFFF30] =	vst v14;
	v15 =	vld.idx.msk [tilespmem:v16+s14+$0x0], $0xffff  }
0x43: {  	v14 =	vld.idx.msk [tilespmem:v18+s14+$0x0], $0xffff;
	[tilespmem:s26+$0x10] =	vst v17;
	v16 =	vadd.s32 v3, v24  }
0x44: {  	v18 =	vadd.s32 v3, v25;
	[tilespmem:s26+$0xFFFFFE50] =	vst v19;
	v17 =	vld.idx.msk [tilespmem:v22+s14+$0x0], $0xffff  }
0x45: {  	v22 =	vadd.s32 v3, v20;
	v19 =	vld.idx.msk [tilespmem:v23+s14+$0x0], $0xffff  }
0x46: {  	v23 =	vadd.s32 v3, v21  }
0x47: {  	[tilespmem:s26+$0x100] =	vst v15  }
0x48: {  	[tilespmem:s26+$0xFFFFFF40] =	vst v14;
	v15 =	vld.idx.msk [tilespmem:v16+s14+$0x0], $0xffff  }
0x49: {  	v14 =	vld.idx.msk [tilespmem:v18+s14+$0x0], $0xffff;
	[tilespmem:s26+$0x20] =	vst v17;
	v16 =	vadd.s32 v4, v24  }
0x4a: {  	v18 =	vadd.s32 v4, v25;
	[tilespmem:s26+$0xFFFFFE60] =	vst v19;
	v17 =	vld.idx.msk [tilespmem:v22+s14+$0x0], $0xffff  }
0x4b: {  	v22 =	vadd.s32 v4, v20;
	v19 =	vld.idx.msk [tilespmem:v23+s14+$0x0], $0xffff  }
0x4c: {  	v23 =	vadd.s32 v4, v21  }
0x4d: {  	[tilespmem:s26+$0x110] =	vst v15  }
0x4e: {  	[tilespmem:s26+$0xFFFFFF50] =	vst v14;
	v15 =	vld.idx.msk [tilespmem:v16+s14+$0x0], $0xffff  }
0x4f: {  	v14 =	vld.idx.msk [tilespmem:v18+s14+$0x0], $0xffff;
	[tilespmem:s26+$0x30] =	vst v17;
	v16 =	vadd.s32 v5, v24  }
0x50: {  	v18 =	vadd.s32 v5, v25;
	[tilespmem:s26+$0xFFFFFE70] =	vst v19;
	v17 =	vld.idx.msk [tilespmem:v22+s14+$0x0], $0xffff  }
0x51: {  	v22 =	vadd.s32 v5, v20;
	v19 =	vld.idx.msk [tilespmem:v23+s14+$0x0], $0xffff  }
0x52: {  	v23 =	vadd.s32 v5, v21  }
0x53: {  	s29 =	simm.s32 $0x4;
	[tilespmem:s26+$0x120] =	vst v15  }
0x54: {  	s30 =	simm.s32 $0x5;
	v15 =	vmov s29;
	[tilespmem:s26+$0xFFFFFF60] =	vst v14;
	v16 =	vld.idx.msk [tilespmem:v16+s14+$0x0], $0xffff  }
0x55: {  	v14 =	vmul.u32 $0xE0, v15;
	v15 =	vmov s30;
	v18 =	vld.idx.msk [tilespmem:v18+s14+$0x0], $0xffff;
	[tilespmem:s26+$0x40] =	vst v17;
	v17 =	vadd.s32 v6, v24  }
0x56: {  	v15 =	vmul.u32 $0xE0, v15;
	[tilespmem:s26+$0xFFFFFE80] =	vst v19;
	v19 =	vld.idx.msk [tilespmem:v22+s14+$0x0], $0xffff;
	v22 =	vadd.s32 v6, v25  }
0x57: {  	v26 =	vadd.s32 v6, v20;
	v14 =	vbroadcast v14, $0x0;
	v23 =	vld.idx.msk [tilespmem:v23+s14+$0x0], $0xffff  }
0x58: {  	v27 =	vadd.s32 v6, v21;
	v15 =	vbroadcast v15, $0x0  }
0x59: {  	s31 =	simm.s32 $0x6;
	v28 =	vadd.s32 v0, v14;
	[tilespmem:s26+$0x130] =	vst v16  }
0x5a: {  	v29 =	vadd.s32 v0, v15;
	v16 =	vmov s31;
	[tilespmem:s26+$0xFFFFFF70] =	vst v18;
	v17 =	vld.idx.msk [tilespmem:v17+s14+$0x0], $0xffff  }
0x5b: {  	s25 =	simm.s32 $0x7;
	v16 =	vmul.u32 $0xE0, v16;
	v18 =	vld.idx.msk [tilespmem:v22+s14+$0x0], $0xffff;
	[tilespmem:s26+$0x50] =	vst v19;
	v22 =	vadd.s32 v7, v24  }
0x5c: {  	v19 =	vmov s25;
	[tilespmem:s26+$0xFFFFFE90] =	vst v23;
	v23 =	vld.idx.msk [tilespmem:v26+s14+$0x0], $0xffff;
	v26 =	vadd.s32 v7, v25  }
0x5d: {  	v30 =	vadd.s32 v7, v20;
	v19 =	vmul.u32 $0xE0, v19;
	v16 =	vbroadcast v16, $0x0;
	v27 =	vld.idx.msk [tilespmem:v27+s14+$0x0], $0xffff  }
0x5e: {  	v31 =	vadd.s32 v7, v21;
	v28 =	vld.idx.msk [tilespmem:v28+s14+$0x0], $0xffff  }
0x5f: {  	v19 =	vbroadcast v19, $0x0;
	v29 =	vld.idx.msk [tilespmem:v29+s14+$0x0], $0xffff;
	v32 =	vadd.s32 v0, v16;
	[tilespmem:s26+$0x140] =	vst v17  }
0x60: {  	s29 =	simm.s32 $0x8;
	v59 =	vadd.s32 v1, v14;
	[tilespmem:s26+$0xFFFFFF80] =	vst v18;
	v22 =	vld.idx.msk [tilespmem:v22+s14+$0x0], $0xffff  }
0x61: {  	s30 =	simm.s32 $0x9;
	v17 =	vmov s29;
	v33 =	vadd.s32 v0, v19;
	v26 =	vld.idx.msk [tilespmem:v26+s14+$0x0], $0xffff;
	[tilespmem:s26+$0x60] =	vst v23  }
0x62: {  	v18 =	vmov s30;
	v17 =	vmul.u32 $0xE0, v17;
	v23 =	vadd.s32 v8, v24;
	[tilespmem:s26+$0xFFFFFEA0] =	vst v27;
	v27 =	vld.idx.msk [tilespmem:v30+s14+$0x0], $0xffff  }
0x63: {  	v34 =	vadd.s32 v8, v25;
	s25 =	simm.s32 $0xE620;
	v30 =	vmul.u32 $0xE0, v18;
	v31 =	vld.idx.msk [tilespmem:v31+s14+$0x0], $0xffff  }
0x64: {  	v35 =	vadd.s32 v8, v20;
	v18 =	vbroadcast v17, $0x0;
	[tilespmem:s25+$0xFFFFFE40] =	vst v28;
	v32 =	vld.idx.msk [tilespmem:v32+s14+$0x0], $0xffff  }
0x65: {  	v17 =	vbroadcast v30, $0x0;
	v30 =	vadd.s32 v8, v21;
	v63 =	vld.idx.msk [tilespmem:v59+s14+$0x0], $0xffff  }
0x66: {  	v36 =	vadd.s32 v0, v18;
	v33 =	vld.idx.msk [tilespmem:v33+s14+$0x0], $0xffff;
	[tilespmem:s26+$0x150] =	vst v22  }
0x67: {  	v58 =	vadd.s32 v1, v16;
	[tilespmem:s26+$0xFFFFFF90] =	vst v26;
	v26 =	vld.idx.msk [tilespmem:v23+s14+$0x0], $0xffff  }
0x68: {  	v38 =	vadd.s32 v1, v19;
	v34 =	vld.idx.msk [tilespmem:v34+s14+$0x0], $0xffff;
	[tilespmem:s26+$0x70] =	vst v27  }
0x69: {  	v37 =	vadd.s32 v0, v17;
	[tilespmem:s26+$0xFFFFFEB0] =	vst v31;
	v27 =	vld.idx.msk [tilespmem:v35+s14+$0x0], $0xffff  }
0x6a: {  	[tilespmem:s25+$0xFFFFFF20] =	vst v29;
	v31 =	vadd.s32 v9, v24;
	v30 =	vld.idx.msk [tilespmem:v30+s14+$0x0], $0xffff  }
0x6b: {  	v57 =	vadd.s32 v1, v15;
	[tilespmem:s25+$0x0] =	vst v32;
	v22 =	vld.idx.msk [tilespmem:v36+s14+$0x0], $0xffff  }
0x6c: {  	v60 =	vadd.s32 v9, v25;
	[tilespmem:s25+$0xE0] =	vst v33;
	v28 =	vld.idx.msk [tilespmem:v58+s14+$0x0], $0xffff  }
0x6d: {  	v41 =	vadd.s32 v2, v16;
	[tilespmem:s25+$0xFFFFFE50] =	vst v63;
	v33 =	vld.idx.msk [tilespmem:v38+s14+$0x0], $0xffff  }
0x6e: {  	v61 =	vadd.s32 v2, v19;
	v23 =	vld.idx.msk [tilespmem:v37+s14+$0x0], $0xffff;
	[tilespmem:s26+$0x160] =	vst v26  }
0x6f: {  	v26 =	vadd.s32 v9, v20;
	[tilespmem:s26+$0xFFFFFFA0] =	vst v34;
	v29 =	vld.idx.msk [tilespmem:v31+s14+$0x0], $0xffff  }
0x70: {  	v31 =	vld.idx.msk [tilespmem:v57+s14+$0x0], $0xffff;
	[tilespmem:s26+$0x80] =	vst v27;
	v27 =	vadd.s32 v2, v14  }
0x71: {  	v62 =	vadd.s32 v10, v24;
	v38 =	vld.idx.msk [tilespmem:v60+s14+$0x0], $0xffff;
	[tilespmem:s25+$0x10] =	vst v28  }
0x72: {  	v42 =	vadd.s32 v9, v21;
	[tilespmem:s25+$0xF0] =	vst v33;
	v34 =	vld.idx.msk [tilespmem:v41+s14+$0x0], $0xffff  }
0x73: {  	v40 =	vadd.s32 v2, v15;
	[tilespmem:s26+$0xFFFFFEC0] =	vst v30;
	v32 =	vld.idx.msk [tilespmem:v61+s14+$0x0], $0xffff  }
0x74: {  	v26 =	vld.idx.msk [tilespmem:v26+s14+$0x0], $0xffff;
	[tilespmem:s26+$0x170] =	vst v29;
	v29 =	vadd.s32 v10, v25  }
0x75: {  	v28 =	vadd.s32 v3, v19;
	[tilespmem:s25+$0xFFFFFF30] =	vst v31;
	v27 =	vld.idx.msk [tilespmem:v27+s14+$0x0], $0xffff  }
0x76: {  	v30 =	vadd.s32 v3, v16;
	[tilespmem:s26+$0xFFFFFFB0] =	vst v38;
	v31 =	vld.idx.msk [tilespmem:v62+s14+$0x0], $0xffff  }
0x77: {  	v47 =	vadd.s32 v10, v20;
	v33 =	vld.idx.msk [tilespmem:v42+s14+$0x0], $0xffff;
	[tilespmem:s25+$0x20] =	vst v34  }
0x78: {  	v46 =	vadd.s32 v3, v14;
	v43 =	vld.idx.msk [tilespmem:v40+s14+$0x0], $0xffff;
	[tilespmem:s25+$0x100] =	vst v32  }
0x79: {  	v44 =	vadd.s32 v11, v24;
	[tilespmem:s26+$0x90] =	vst v26;
	v29 =	vld.idx.msk [tilespmem:v29+s14+$0x0], $0xffff  }
0x7a: {  	v45 =	vadd.s32 v3, v15;
	v28 =	vld.idx.msk [tilespmem:v28+s14+$0x0], $0xffff;
	[tilespmem:s25+$0xFFFFFE60] =	vst v27  }
0x7b: {  	v27 =	vld.idx.msk [tilespmem:v30+s14+$0x0], $0xffff;
	[tilespmem:s26+$0x180] =	vst v31;
	v31 =	vadd.s32 v10, v21  }
0x7c: {  	v50 =	vadd.s32 v4, v19;
	v32 =	vld.idx.msk [tilespmem:v47+s14+$0x0], $0xffff  }
0x7d: {  	v54 =	vadd.s32 v11, v25;
	s31 =	simm.s32 $0xA;
	v26 =	vadd.s32 v4, v16;
	v51 =	vld.idx.msk [tilespmem:v46+s14+$0x0], $0xffff  }
0x7e: {  	v56 =	vadd.s32 v13, v24;
	v30 =	vadd.s32 v12, v24;
	v24 =	vmov s31;
	[tilespmem:s25+$0xFFFFFF40] =	vst v43;
	v48 =	vld.idx.msk [tilespmem:v44+s14+$0x0], $0xffff  }
0x7f: {  	v53 =	vadd.s32 v4, v14;
	[tilespmem:s26+$0xFFFFFED0] =	vst v33;
	v24 =	vmul.u32 $0xE0, v24;
	v49 =	vld.idx.msk [tilespmem:v45+s14+$0x0], $0xffff  }
0x80: {  	[tilespmem:s25+$0x110] =	vst v28;
	v28 =	vld.idx.msk [tilespmem:v31+s14+$0x0], $0xffff  }
0x81: {  	v52 =	vadd.s32 v4, v15;
	v24 =	vbroadcast v24, $0x0;
	[tilespmem:s25+$0x30] =	vst v27;
	v31 =	vld.idx.msk [tilespmem:v50+s14+$0x0], $0xffff  }
0x82: {  	v55 =	vadd.s32 v11, v20;
	[tilespmem:s26+$0xFFFFFFC0] =	vst v29;
	v26 =	vld.idx.msk [tilespmem:v26+s14+$0x0], $0xffff  }
0x83: {  	v60 =	vadd.s32 v0, v24;
	[tilespmem:s25+$0xFFFFFE70] =	vst v51;
	v34 =	vld.idx.msk [tilespmem:v54+s14+$0x0], $0xffff  }
0x84: {  	v27 =	vadd.s32 v5, v19;
	[tilespmem:s26+$0x190] =	vst v48;
	v33 =	vld.idx.msk [tilespmem:v53+s14+$0x0], $0xffff  }
0x85: {  	v29 =	vadd.s32 v5, v16;
	[tilespmem:s25+$0xFFFFFF50] =	vst v49;
	v30 =	vld.idx.msk [tilespmem:v30+s14+$0x0], $0xffff  }
0x86: {  	v58 =	vadd.s32 v5, v14;
	[tilespmem:s26+$0xA0] =	vst v32;
	v36 =	vld.idx.msk [tilespmem:v52+s14+$0x0], $0xffff  }
0x87: {  	v57 =	vadd.s32 v5, v15;
	v39 =	vld.idx.msk [tilespmem:v55+s14+$0x0], $0xffff;
	[tilespmem:s25+$0x120] =	vst v31  }
0x88: {  	[tilespmem:s25+$0x40] =	vst v26;
	v26 =	vld.idx.msk [tilespmem:v60+s14+$0x0], $0xffff  }
0x89: {  	v31 =	vld.idx.msk [tilespmem:v27+s14+$0x0], $0xffff;
	v27 =	vadd.s32 v11, v21;
	[tilespmem:s25+$0xFFFFFE80] =	vst v33  }
0x8a: {  	v62 =	vld.idx.msk [tilespmem:v29+s14+$0x0], $0xffff;
	[tilespmem:s26+$0x1A0] =	vst v30;
	v30 =	vadd.s32 v12, v25  }
0x8b: {  	v29 =	vadd.s32 v6, v19;
	[tilespmem:s25+$0xFFFFFF60] =	vst v36;
	v32 =	vld.idx.msk [tilespmem:v58+s14+$0x0], $0xffff  }
0x8c: {  	v40 =	vadd.s32 v6, v16;
	[tilespmem:s26+$0xFFFFFEE0] =	vst v28;
	v61 =	vld.idx.msk [tilespmem:v57+s14+$0x0], $0xffff  }
0x8d: {  	v63 =	vadd.s32 v6, v15;
	[tilespmem:s26+$0xFFFFFFD0] =	vst v34;
	v59 =	vld.idx.msk [tilespmem:v56+s14+$0x0], $0xffff  }
0x8e: {  	v41 =	vadd.s32 v6, v14;
	[tilespmem:s26+$0xB0] =	vst v39;
	v27 =	vld.idx.msk [tilespmem:v27+s14+$0x0], $0xffff  }
0x8f: {  	v34 =	vadd.s32 v12, v20;
	[tilespmem:s25+$0x130] =	vst v31;
	v28 =	vld.idx.msk [tilespmem:v30+s14+$0x0], $0xffff  }
0x90: {  	v35 =	vadd.s32 v12, v21;
	[tilespmem:s25+$0x50] =	vst v62;
	v31 =	vld.idx.msk [tilespmem:v29+s14+$0x0], $0xffff  }
0x91: {  	v33 =	vadd.s32 v13, v25;
	v30 =	vld.idx.msk [tilespmem:v40+s14+$0x0], $0xffff;
	[tilespmem:s25+$0xFFFFFF70] =	vst v61  }
0x92: {  	s28 =	simm.s32 $0xB;
	v37 =	vadd.s32 v7, v19;
	[tilespmem:s25+$0xFFFFFE90] =	vst v32;
	v29 =	vld.idx.msk [tilespmem:v63+s14+$0x0], $0xffff  }
0x93: {  	s24 =	sshll.u32 s23, $0x1;
	v25 =	vmov s28;
	s28 =	simm.s32 $0xC;
	v36 =	vadd.s32 v7, v15;
	[tilespmem:s26+$0x1B0] =	vst v59;
	v32 =	vld.idx.msk [tilespmem:v41+s14+$0x0], $0xffff  }
.LBB2_3:
0x94: {  	p1 =	slt.u32 s28, $0x7C;
	v25 =	vmul.u32 $0xE0, v25;
	v38 =	vadd.s32 v7, v16;
	[tilespmem:s26+$0xFFFFFEF0] =	vst v27;
	v34 =	vld.idx.msk [tilespmem:v34+s14+$0x0], $0xffff  }
0x95: {  	v39 =	vadd.s32 v7, v14;
	v35 =	vld.idx.msk [tilespmem:v35+s14+$0x0], $0xffff;
	[tilespmem:s26+$0xFFFFFFE0] =	vst v28  }
0x96: {  	v27 =	vbroadcast v25, $0x0;
	[tilespmem:s25+$0x140] =	vst v31;
	v28 =	vld.idx.msk [tilespmem:v33+s14+$0x0], $0xffff;
	v25 =	vadd.s32 v13, v20;
	v20 =	vmovc v16;
	v16 =	vmov v24  }
0x97: {  	[tilespmem:s25+$0xFFFFFF80] =	vst v29;
	v24 =	vld.idx.msk [tilespmem:v37+s14+$0x0], $0xffff;
	v29 =	vadd.s32 v13, v21;
	v21 =	vmov v14;
	v14 =	vmov v18  }
0x98: {  	s29 =	sadd.s32 $0x1, s28;
	v18 =	vmov s28;
	v31 =	vadd.s32 v0, v27;
	v33 =	vld.idx.msk [tilespmem:v36+s14+$0x0], $0xffff;
	[tilespmem:s25+$0x60] =	vst v30  }
0x99: {  	v18 =	vmul.u32 $0xE0, v18;
	v30 =	vmov s29;
	v36 =	vadd.s32 v8, v19;
	[tilespmem:s25+$0xFFFFFEA0] =	vst v32;
	v32 =	vld.idx.msk [tilespmem:v38+s14+$0x0], $0xffff  }
0x9a: {  	v30 =	vmul.u32 $0xE0, v30;
	v38 =	vadd.s32 v8, v15;
	v37 =	vld.idx.msk [tilespmem:v39+s14+$0x0], $0xffff;
	[tilespmem:s26+$0xC0] =	vst v34  }
0x9b: {  	v18 =	vbroadcast v18, $0x0;
	v34 =	vadd.s32 v8, v20;
	[tilespmem:s26+$0xFFFFFF00] =	vst v35;
	v35 =	vld.idx.msk [tilespmem:v25+s14+$0x0], $0xffff  }
0x9c: {  	v25 =	vbroadcast v30, $0x0;
	v30 =	vadd.s32 v8, v21;
	v29 =	vld.idx.msk [tilespmem:v29+s14+$0x0], $0xffff;
	[tilespmem:s26+$0xFFFFFFF0] =	vst v28  }
0x9d: {  	v28 =	vadd.s32 v0, v18;
	v31 =	vld.idx.msk [tilespmem:v31+s14+$0x0], $0xffff;
	[tilespmem:s25+$0x150] =	vst v24  }
0x9e: {  	v24 =	vadd.s32 v0, v25;
	[tilespmem:s25+$0xFFFFFF90] =	vst v33;
	v33 =	vld.idx.msk [tilespmem:v36+s14+$0x0], $0xffff  }
0x9f: {  	v36 =	vadd.s32 v1, v27;
	v38 =	vld.idx.msk [tilespmem:v38+s14+$0x0], $0xffff;
	[tilespmem:s25+$0x70] =	vst v32  }
0xa0: {  	[tilespmem:s25+$0xFFFFFEB0] =	vst v37;
	v32 =	vld.idx.msk [tilespmem:v34+s14+$0x0], $0xffff;
	v34 =	vadd.s32 v9, v19  }
0xa1: {  	v37 =	vadd.s32 v1, v17;
	v30 =	vld.idx.msk [tilespmem:v30+s14+$0x0], $0xffff;
	[tilespmem:s26+$0xD0] =	vst v35  }
0xa2: {  	v35 =	vadd.s32 v1, v16;
	v28 =	vld.idx.msk [tilespmem:v28+s14+$0x0], $0xffff;
	[tilespmem:s26+$0xFFFFFF10] =	vst v29;
	s26 =	smov.u32 s25;
	s25 =	sadd.s32 $0x380, s25  }
0xa3: {  	v29 =	vadd.s32 v1, v14;
	v24 =	vld.idx.msk [tilespmem:v24+s14+$0x0], $0xffff;
	[tilespmem:s25+$0xE0] =	vst v31  }
0xa4: {  	v31 =	vld.idx.msk [tilespmem:v36+s14+$0x0], $0xffff;
	v36 =	vadd.s32 v9, v15;
	[tilespmem:s26+$0x160] =	vst v33  }
0xa5: {  	v33 =	vadd.s32 v9, v20;
	[tilespmem:s25+$0xFFFFFF20] =	vst v23;
	v34 =	vld.idx.msk [tilespmem:v34+s14+$0x0], $0xffff  }
0xa6: {  	v37 =	vld.idx.msk [tilespmem:v37+s14+$0x0], $0xffff;
	[tilespmem:s25+$0x0] =	vst v26;
	v26 =	vadd.s32 v2, v27  }
0xa7: {  	v39 =	vadd.s32 v10, v19;
	[tilespmem:s25+$0xFFFFFE40] =	vst v22;
	v35 =	vld.idx.msk [tilespmem:v35+s14+$0x0], $0xffff  }
0xa8: {  	v40 =	vadd.s32 v2, v17;
	v22 =	vmov v28;
	v29 =	vld.idx.msk [tilespmem:v29+s14+$0x0], $0xffff;
	[tilespmem:s26+$0xFFFFFFA0] =	vst v38  }
0xa9: {  	v28 =	vadd.s32 v2, v16;
	v23 =	vmov v24;
	v36 =	vld.idx.msk [tilespmem:v36+s14+$0x0], $0xffff;
	[tilespmem:s26+$0x80] =	vst v32  }
0xaa: {  	v24 =	vadd.s32 v2, v14;
	[tilespmem:s25+$0xF0] =	vst v31;
	v31 =	vld.idx.msk [tilespmem:v33+s14+$0x0], $0xffff  }
0xab: {  	v32 =	vadd.s32 v9, v21;
	v26 =	vld.idx.msk [tilespmem:v26+s14+$0x0], $0xffff;
	[tilespmem:s26+$0x170] =	vst v34  }
0xac: {  	v33 =	vadd.s32 v10, v15;
	[tilespmem:s25+$0xFFFFFF30] =	vst v37;
	v34 =	vld.idx.msk [tilespmem:v39+s14+$0x0], $0xffff  }
0xad: {  	v37 =	vld.idx.msk [tilespmem:v40+s14+$0x0], $0xffff;
	[tilespmem:s25+$0x10] =	vst v35;
	v35 =	vadd.s32 v3, v27  }
0xae: {  	[tilespmem:s25+$0xFFFFFE50] =	vst v29;
	v28 =	vld.idx.msk [tilespmem:v28+s14+$0x0], $0xffff;
	v29 =	vadd.s32 v11, v19  }
0xaf: {  	v38 =	vadd.s32 v3, v17;
	v24 =	vld.idx.msk [tilespmem:v24+s14+$0x0], $0xffff;
	[tilespmem:s26+$0xFFFFFEC0] =	vst v30  }
0xb0: {  	v30 =	vadd.s32 v3, v16;
	v32 =	vld.idx.msk [tilespmem:v32+s14+$0x0], $0xffff;
	[tilespmem:s26+$0xFFFFFFB0] =	vst v36  }
0xb1: {  	v36 =	vadd.s32 v3, v14;
	[tilespmem:s25+$0x100] =	vst v26;
	v26 =	vld.idx.msk [tilespmem:v33+s14+$0x0], $0xffff  }
0xb2: {  	v33 =	vld.idx.msk [tilespmem:v35+s14+$0x0], $0xffff;
	v35 =	vadd.s32 v10, v20;
	[tilespmem:s26+$0x180] =	vst v34  }
0xb3: {  	v34 =	vadd.s32 v10, v21;
	[tilespmem:s25+$0xFFFFFF40] =	vst v37;
	v29 =	vld.idx.msk [tilespmem:v29+s14+$0x0], $0xffff  }
0xb4: {  	v37 =	vld.idx.msk [tilespmem:v38+s14+$0x0], $0xffff;
	[tilespmem:s25+$0x20] =	vst v28;
	v28 =	vadd.s32 v4, v27  }
0xb5: {  	[tilespmem:s25+$0xFFFFFE60] =	vst v24;
	v24 =	vld.idx.msk [tilespmem:v30+s14+$0x0], $0xffff;
	v30 =	vadd.s32 v12, v19  }
0xb6: {  	v38 =	vadd.s32 v4, v17;
	v36 =	vld.idx.msk [tilespmem:v36+s14+$0x0], $0xffff;
	[tilespmem:s26+$0x90] =	vst v31  }
0xb7: {  	v31 =	vadd.s32 v4, v16;
	[tilespmem:s26+$0xFFFFFED0] =	vst v32;
	v32 =	vld.idx.msk [tilespmem:v35+s14+$0x0], $0xffff  }
0xb8: {  	v35 =	vadd.s32 v4, v14;
	[tilespmem:s25+$0x110] =	vst v33;
	v33 =	vld.idx.msk [tilespmem:v34+s14+$0x0], $0xffff  }
0xb9: {  	v34 =	vadd.s32 v11, v15;
	v28 =	vld.idx.msk [tilespmem:v28+s14+$0x0], $0xffff;
	[tilespmem:s26+$0x190] =	vst v29  }
0xba: {  	v29 =	vadd.s32 v11, v20;
	[tilespmem:s25+$0xFFFFFF50] =	vst v37;
	v30 =	vld.idx.msk [tilespmem:v30+s14+$0x0], $0xffff  }
0xbb: {  	v37 =	vld.idx.msk [tilespmem:v38+s14+$0x0], $0xffff;
	[tilespmem:s25+$0x30] =	vst v24;
	v38 =	vadd.s32 v5, v27  }
0xbc: {  	s29 =	sadd.s32 $0x2, s28;
	[tilespmem:s25+$0xFFFFFE70] =	vst v36;
	v31 =	vld.idx.msk [tilespmem:v31+s14+$0x0], $0xffff;
	v36 =	vadd.s32 v13, v19;
	v19 =	vmov v27  }
0xbd: {  	v24 =	vmov s29;
	v27 =	vld.idx.msk [tilespmem:v35+s14+$0x0], $0xffff;
	v35 =	vadd.s32 v5, v17;
	[tilespmem:s26+$0xFFFFFFC0] =	vst v26  }
0xbe: {  	v24 =	vmul.u32 $0xE0, v24;
	v26 =	vadd.s32 v5, v16;
	v34 =	vld.idx.msk [tilespmem:v34+s14+$0x0], $0xffff;
	[tilespmem:s26+$0xA0] =	vst v32  }
0xbf: {  	v32 =	vadd.s32 v5, v14;
	[tilespmem:s25+$0x120] =	vst v28;
	v39 =	vld.idx.msk [tilespmem:v29+s14+$0x0], $0xffff  }
0xc0: {  	v24 =	vbroadcast v24, $0x0;
	v29 =	vadd.s32 v11, v21;
	v28 =	vld.idx.msk [tilespmem:v38+s14+$0x0], $0xffff;
	[tilespmem:s26+$0x1A0] =	vst v30  }
0xc1: {  	v30 =	vadd.s32 v12, v15;
	[tilespmem:s25+$0xFFFFFF60] =	vst v37;
	v36 =	vld.idx.msk [tilespmem:v36+s14+$0x0], $0xffff  }
0xc2: {  	v37 =	vadd.s32 v0, v24;
	v35 =	vld.idx.msk [tilespmem:v35+s14+$0x0], $0xffff;
	[tilespmem:s25+$0x40] =	vst v31  }
0xc3: {  	v31 =	vadd.s32 v6, v19;
	[tilespmem:s25+$0xFFFFFE80] =	vst v27;
	v38 =	vld.idx.msk [tilespmem:v26+s14+$0x0], $0xffff  }
0xc4: {  	v40 =	vadd.s32 v6, v17;
	v32 =	vld.idx.msk [tilespmem:v32+s14+$0x0], $0xffff;
	[tilespmem:s26+$0xFFFFFEE0] =	vst v33  }
0xc5: {  	v41 =	vadd.s32 v6, v16;
	v27 =	vld.idx.msk [tilespmem:v29+s14+$0x0], $0xffff;
	[tilespmem:s26+$0xFFFFFFD0] =	vst v34  }
0xc6: {  	v42 =	vadd.s32 v6, v14;
	[tilespmem:s25+$0x130] =	vst v28;
	v28 =	vld.idx.msk [tilespmem:v30+s14+$0x0], $0xffff  }
.Ltmp2:
0xc7: {  	v34 =	vadd.s32 v12, v20;
	v26 =	vld.idx.msk [tilespmem:v37+s14+$0x0], $0xffff;
	[tilespmem:s26+$0x1B0] =	vst v36;
	(pc) =	sbr.rel @p1 .LBB2_3-.Ltmp2, $4  }
0xc8: {  	[tilespmem:s25+$0xFFFFFF70] =	vst v35;
	v31 =	vld.idx.msk [tilespmem:v31+s14+$0x0], $0xffff;
	v35 =	vadd.s32 v12, v21  }
0xc9: {  	v33 =	vadd.s32 v13, v15;
	v15 =	vmov v17;
	v17 =	vmov v25;
	v29 =	vld.idx.msk [tilespmem:v40+s14+$0x0], $0xffff;
	[tilespmem:s25+$0x50] =	vst v38  }
0xca: {  	s29 =	sadd.s32 $0x3, s28;
	v37 =	vadd.s32 v7, v19;
	[tilespmem:s25+$0xFFFFFE90] =	vst v32;
	v30 =	vld.idx.msk [tilespmem:v41+s14+$0x0], $0xffff  }
0xcb: {  	s28 =	sadd.s32 $0x4, s28;
	v25 =	vmov s29;
	v36 =	vadd.s32 v7, v15;
	v32 =	vld.idx.msk [tilespmem:v42+s14+$0x0], $0xffff;
	[tilespmem:s26+$0xB0] =	vst v39  }
0xcc: {  	[tilespmem:s26+$0xFFFFFEF0] =	vst v27  }
0xcd: {  	[tilespmem:s26+$0xFFFFFFE0] =	vst v28  }
0xce: {  	v25 =	vmul.u32 $0xE0, v25;
	s28 =	sadd.s32 $0x380, s25;
	[tilespmem:s25+$0x140] =	vst v31  }
0xcf: {  	[tilespmem:s28+$0xFFFFFF20] =	vst v23  }
0xd0: {  	v42 =	vadd.s32 v7, v16;
	v34 =	vld.idx.msk [tilespmem:v34+s14+$0x0], $0xffff;
	[tilespmem:s28+$0x0] =	vst v26;
	v25 =	vbroadcast v25, $0x0  }
0xd1: {  	v43 =	vadd.s32 v7, v14;
	v35 =	vld.idx.msk [tilespmem:v35+s14+$0x0], $0xffff;
	[tilespmem:s28+$0xFFFFFE40] =	vst v22  }
0xd2: {  	v44 =	vld.idx.msk [tilespmem:v33+s14+$0x0], $0xffff;
	[tilespmem:s25+$0xFFFFFF80] =	vst v29;
	v45 =	vadd.s32 v0, v25  }
0xd3: {  	v49 =	vadd.s32 v1, v17;
	v46 =	vld.idx.msk [tilespmem:v37+s14+$0x0], $0xffff;
	[tilespmem:s25+$0x60] =	vst v30  }
0xd4: {  	v50 =	vadd.s32 v1, v24;
	v47 =	vld.idx.msk [tilespmem:v36+s14+$0x0], $0xffff;
	[tilespmem:s25+$0xFFFFFEA0] =	vst v32  }
0xd5: {  	v51 =	vadd.s32 v1, v18;
	v27 =	vld.idx.msk [tilespmem:v42+s14+$0x0], $0xffff;
	[tilespmem:s26+$0xC0] =	vst v34  }
0xd6: {  	v20 =	vadd.s32 v13, v20;
	v28 =	vld.idx.msk [tilespmem:v43+s14+$0x0], $0xffff;
	[tilespmem:s26+$0xFFFFFF00] =	vst v35  }
0xd7: {  	v21 =	vadd.s32 v13, v21;
	[tilespmem:s26+$0xFFFFFFF0] =	vst v44;
	v29 =	vld.idx.msk [tilespmem:v45+s14+$0x0], $0xffff  }
0xd8: {  	v48 =	vadd.s32 v1, v25;
	v23 =	vld.idx.msk [tilespmem:v49+s14+$0x0], $0xffff;
	[tilespmem:s25+$0x150] =	vst v46  }
0xd9: {  	v52 =	vadd.s32 v8, v19;
	v55 =	vld.idx.msk [tilespmem:v50+s14+$0x0], $0xffff;
	[tilespmem:s25+$0xFFFFFF90] =	vst v47  }
0xda: {  	v56 =	vadd.s32 v2, v17;
	v57 =	vld.idx.msk [tilespmem:v51+s14+$0x0], $0xffff;
	[tilespmem:s25+$0x70] =	vst v27  }
0xdb: {  	v58 =	vadd.s32 v2, v24;
	v20 =	vld.idx.msk [tilespmem:v20+s14+$0x0], $0xffff;
	[tilespmem:s25+$0xFFFFFEB0] =	vst v28  }
0xdc: {  	v60 =	vadd.s32 v2, v18;
	v21 =	vld.idx.msk [tilespmem:v21+s14+$0x0], $0xffff;
	[tilespmem:s28+$0xE0] =	vst v29  }
0xdd: {  	v61 =	vadd.s32 v8, v16;
	[tilespmem:s28+$0xFFFFFF30] =	vst v23;
	v31 =	vld.idx.msk [tilespmem:v48+s14+$0x0], $0xffff  }
0xde: {  	v54 =	vadd.s32 v2, v25;
	v59 =	vld.idx.msk [tilespmem:v52+s14+$0x0], $0xffff;
	[tilespmem:s28+$0x10] =	vst v55  }
0xdf: {  	v53 =	vadd.s32 v8, v15;
	[tilespmem:s28+$0xFFFFFE50] =	vst v57;
	v23 =	vld.idx.msk [tilespmem:v56+s14+$0x0], $0xffff  }
0xe0: {  	v37 =	vadd.s32 v3, v17;
	[tilespmem:s26+$0xD0] =	vst v20;
	v36 =	vld.idx.msk [tilespmem:v58+s14+$0x0], $0xffff  }
0xe1: {  	v38 =	vadd.s32 v3, v24;
	[tilespmem:s26+$0xFFFFFF10] =	vst v21;
	v21 =	vld.idx.msk [tilespmem:v60+s14+$0x0], $0xffff  }
0xe2: {  	v40 =	vadd.s32 v3, v18;
	v39 =	vld.idx.msk [tilespmem:v61+s14+$0x0], $0xffff;
	[tilespmem:s28+$0xF0] =	vst v31  }
0xe3: {  	v41 =	vadd.s32 v8, v14;
	[tilespmem:s25+$0x160] =	vst v59;
	v26 =	vld.idx.msk [tilespmem:v54+s14+$0x0], $0xffff  }
0xe4: {  	v63 =	vadd.s32 v3, v25;
	v29 =	vld.idx.msk [tilespmem:v53+s14+$0x0], $0xffff;
	[tilespmem:s28+$0xFFFFFF40] =	vst v23  }
0xe5: {  	v62 =	vadd.s32 v9, v19;
	[tilespmem:s28+$0x20] =	vst v36;
	v23 =	vld.idx.msk [tilespmem:v37+s14+$0x0], $0xffff  }
0xe6: {  	v45 =	vadd.s32 v4, v17;
	[tilespmem:s28+$0xFFFFFE60] =	vst v21;
	v44 =	vld.idx.msk [tilespmem:v38+s14+$0x0], $0xffff  }
0xe7: {  	v47 =	vadd.s32 v4, v24;
	[tilespmem:s25+$0x80] =	vst v39;
	v46 =	vld.idx.msk [tilespmem:v40+s14+$0x0], $0xffff  }
0xe8: {  	v49 =	vadd.s32 v4, v18;
	v48 =	vld.idx.msk [tilespmem:v41+s14+$0x0], $0xffff;
	[tilespmem:s28+$0x100] =	vst v26  }
0xe9: {  	v42 =	vadd.s32 v9, v15;
	[tilespmem:s25+$0xFFFFFFA0] =	vst v29;
	v22 =	vld.idx.msk [tilespmem:v63+s14+$0x0], $0xffff  }
0xea: {  	v43 =	vadd.s32 v4, v25;
	v31 =	vld.idx.msk [tilespmem:v62+s14+$0x0], $0xffff;
	[tilespmem:s28+$0xFFFFFF50] =	vst v23  }
0xeb: {  	v50 =	vadd.s32 v10, v19;
	[tilespmem:s28+$0x30] =	vst v44;
	v23 =	vld.idx.msk [tilespmem:v45+s14+$0x0], $0xffff  }
0xec: {  	v54 =	vadd.s32 v5, v17;
	[tilespmem:s28+$0xFFFFFE70] =	vst v46;
	v53 =	vld.idx.msk [tilespmem:v47+s14+$0x0], $0xffff  }
0xed: {  	v56 =	vadd.s32 v5, v24;
	[tilespmem:s25+$0xFFFFFEC0] =	vst v48;
	v55 =	vld.idx.msk [tilespmem:v49+s14+$0x0], $0xffff  }
0xee: {  	v58 =	vadd.s32 v5, v18;
	v26 =	vld.idx.msk [tilespmem:v42+s14+$0x0], $0xffff;
	[tilespmem:s28+$0x110] =	vst v22  }
0xef: {  	v51 =	vadd.s32 v9, v16;
	[tilespmem:s25+$0x170] =	vst v31;
	v20 =	vld.idx.msk [tilespmem:v43+s14+$0x0], $0xffff  }
0xf0: {  	v52 =	vadd.s32 v5, v25;
	v57 =	vld.idx.msk [tilespmem:v50+s14+$0x0], $0xffff;
	[tilespmem:s28+$0xFFFFFF60] =	vst v23  }
0xf1: {  	v59 =	vadd.s32 v9, v14;
	[tilespmem:s28+$0x40] =	vst v53;
	v23 =	vld.idx.msk [tilespmem:v54+s14+$0x0], $0xffff  }
0xf2: {  	v63 =	vadd.s32 v6, v17;
	[tilespmem:s28+$0xFFFFFE80] =	vst v55;
	v62 =	vld.idx.msk [tilespmem:v56+s14+$0x0], $0xffff  }
0xf3: {  	v36 =	vadd.s32 v6, v24;
	[tilespmem:s25+$0xFFFFFFB0] =	vst v26;
	v26 =	vld.idx.msk [tilespmem:v58+s14+$0x0], $0xffff  }
0xf4: {  	v38 =	vadd.s32 v6, v18;
	v22 =	vld.idx.msk [tilespmem:v51+s14+$0x0], $0xffff;
	[tilespmem:s28+$0x120] =	vst v20  }
0xf5: {  	v60 =	vadd.s32 v11, v19;
	[tilespmem:s25+$0x180] =	vst v57;
	v21 =	vld.idx.msk [tilespmem:v52+s14+$0x0], $0xffff  }
0xf6: {  	v61 =	vadd.s32 v6, v25;
	v37 =	vld.idx.msk [tilespmem:v59+s14+$0x0], $0xffff;
	[tilespmem:s28+$0xFFFFFF70] =	vst v23  }
0xf7: {  	v39 =	vadd.s32 v10, v15;
	[tilespmem:s28+$0x50] =	vst v62;
	v42 =	vld.idx.msk [tilespmem:v63+s14+$0x0], $0xffff  }
0xf8: {  	v45 =	vadd.s32 v7, v17;
	v44 =	vld.idx.msk [tilespmem:v36+s14+$0x0], $0xffff;
	[tilespmem:s28+$0xFFFFFE90] =	vst v26  }
0xf9: {  	v46 =	vadd.s32 v7, v24;
	[tilespmem:s25+$0x90] =	vst v22;
	v22 =	vld.idx.msk [tilespmem:v38+s14+$0x0], $0xffff  }
0xfa: {  	v48 =	vadd.s32 v7, v18;
	v20 =	vld.idx.msk [tilespmem:v60+s14+$0x0], $0xffff;
	[tilespmem:s28+$0x130] =	vst v21  }
0xfb: {  	v40 =	vadd.s32 v10, v16;
	[tilespmem:s25+$0xFFFFFED0] =	vst v37;
	v41 =	vld.idx.msk [tilespmem:v61+s14+$0x0], $0xffff  }
0xfc: {  	v47 =	vld.idx.msk [tilespmem:v39+s14+$0x0], $0xffff;
	v43 =	vadd.s32 v7, v25;
	[tilespmem:s28+$0xFFFFFF80] =	vst v42  }
0xfd: {  	v50 =	vadd.s32 v10, v14;
	[tilespmem:s28+$0x60] =	vst v44;
	v52 =	vld.idx.msk [tilespmem:v45+s14+$0x0], $0xffff  }
0xfe: {  	v49 =	vadd.s32 v12, v19;
	v54 =	vld.idx.msk [tilespmem:v46+s14+$0x0], $0xffff;
	[tilespmem:s28+$0xFFFFFEA0] =	vst v22  }
0xff: {  	v55 =	vadd.s32 v8, v17;
	[tilespmem:s25+$0x190] =	vst v20;
	v20 =	vld.idx.msk [tilespmem:v48+s14+$0x0], $0xffff  }
0x100: {  	v56 =	vadd.s32 v8, v24;
	v21 =	vld.idx.msk [tilespmem:v40+s14+$0x0], $0xffff;
	[tilespmem:s28+$0x140] =	vst v41  }
0x101: {  	v58 =	vadd.s32 v8, v18;
	[tilespmem:s25+$0xFFFFFFC0] =	vst v47;
	v51 =	vld.idx.msk [tilespmem:v43+s14+$0x0], $0xffff  }
0x102: {  	v53 =	vadd.s32 v8, v25;
	v23 =	vld.idx.msk [tilespmem:v50+s14+$0x0], $0xffff;
	[tilespmem:s28+$0xFFFFFF90] =	vst v52  }
0x103: {  	v59 =	vadd.s32 v11, v15;
	v57 =	vld.idx.msk [tilespmem:v49+s14+$0x0], $0xffff;
	[tilespmem:s28+$0x70] =	vst v54  }
0x104: {  	v60 =	vadd.s32 v13, v19;
	v61 =	vld.idx.msk [tilespmem:v55+s14+$0x0], $0xffff;
	[tilespmem:s28+$0xFFFFFEB0] =	vst v20  }
0x105: {  	v33 =	vadd.s32 v9, v17;
	v63 =	vld.idx.msk [tilespmem:v56+s14+$0x0], $0xffff;
	[tilespmem:s25+$0xA0] =	vst v21  }
0x106: {  	v34 =	vadd.s32 v9, v24;
	v21 =	vld.idx.msk [tilespmem:v58+s14+$0x0], $0xffff;
	[tilespmem:s28+$0x150] =	vst v51  }
0x107: {  	v36 =	vadd.s32 v9, v18;
	[tilespmem:s25+$0xFFFFFEE0] =	vst v23;
	v26 =	vld.idx.msk [tilespmem:v53+s14+$0x0], $0xffff  }
0x108: {  	v62 =	vadd.s32 v9, v25;
	v35 =	vld.idx.msk [tilespmem:v59+s14+$0x0], $0xffff;
	[tilespmem:s25+$0x1A0] =	vst v57  }
0x109: {  	v44 =	vadd.s32 v12, v15;
	v19 =	vld.idx.msk [tilespmem:v60+s14+$0x0], $0xffff;
	[tilespmem:s28+$0xFFFFFFA0] =	vst v61  }
0x10a: {  	v37 =	vadd.s32 v11, v16;
	[tilespmem:s28+$0x80] =	vst v63;
	v28 =	vld.idx.msk [tilespmem:v33+s14+$0x0], $0xffff  }
0x10b: {  	v40 =	vadd.s32 v10, v17;
	v20 =	vld.idx.msk [tilespmem:v34+s14+$0x0], $0xffff;
	[tilespmem:s28+$0xFFFFFEC0] =	vst v21  }
0x10c: {  	v41 =	vadd.s32 v10, v24;
	v21 =	vld.idx.msk [tilespmem:v36+s14+$0x0], $0xffff;
	[tilespmem:s28+$0x160] =	vst v26  }
0x10d: {  	[tilespmem:s25+$0xFFFFFFD0] =	vst v35;
	v43 =	vadd.s32 v10, v18;
	v22 =	vld.idx.msk [tilespmem:v62+s14+$0x0], $0xffff  }
0x10e: {  	v39 =	vadd.s32 v10, v25;
	v49 =	vld.idx.msk [tilespmem:v44+s14+$0x0], $0xffff;
	[tilespmem:s25+$0x1B0] =	vst v19  }
0x10f: {  	v15 =	vadd.s32 v13, v15;
	v42 =	vld.idx.msk [tilespmem:v37+s14+$0x0], $0xffff;
	[tilespmem:s28+$0xFFFFFFB0] =	vst v28  }
0x110: {  	v38 =	vadd.s32 v11, v14;
	[tilespmem:s28+$0x90] =	vst v20;
	v29 =	vld.idx.msk [tilespmem:v40+s14+$0x0], $0xffff  }
0x111: {  	v47 =	vadd.s32 v11, v17;
	v20 =	vld.idx.msk [tilespmem:v41+s14+$0x0], $0xffff;
	[tilespmem:s28+$0xFFFFFED0] =	vst v21  }
0x112: {  	v48 =	vadd.s32 v11, v24;
	v19 =	vld.idx.msk [tilespmem:v43+s14+$0x0], $0xffff;
	[tilespmem:s28+$0x170] =	vst v22  }
0x113: {  	v50 =	vadd.s32 v11, v18;
	[tilespmem:s25+$0xFFFFFFE0] =	vst v49;
	v27 =	vld.idx.msk [tilespmem:v39+s14+$0x0], $0xffff  }
0x114: {  	v46 =	vadd.s32 v11, v25;
	v15 =	vld.idx.msk [tilespmem:v15+s14+$0x0], $0xffff;
	[tilespmem:s25+$0xB0] =	vst v42  }
0x115: {  	v45 =	vadd.s32 v12, v16;
	v26 =	vld.idx.msk [tilespmem:v38+s14+$0x0], $0xffff;
	[tilespmem:s28+$0xFFFFFFC0] =	vst v29  }
0x116: {  	v51 =	vadd.s32 v12, v14;
	[tilespmem:s28+$0xA0] =	vst v20;
	v21 =	vld.idx.msk [tilespmem:v47+s14+$0x0], $0xffff  }
0x117: {  	v53 =	vadd.s32 v12, v17;
	v20 =	vld.idx.msk [tilespmem:v48+s14+$0x0], $0xffff;
	[tilespmem:s28+$0xFFFFFEE0] =	vst v19  }
0x118: {  	v54 =	vadd.s32 v12, v24;
	v19 =	vld.idx.msk [tilespmem:v50+s14+$0x0], $0xffff;
	[tilespmem:s28+$0x180] =	vst v27  }
0x119: {  	v56 =	vadd.s32 v12, v18;
	[tilespmem:s25+$0xFFFFFFF0] =	vst v15;
	v27 =	vld.idx.msk [tilespmem:v46+s14+$0x0], $0xffff  }
0x11a: {  	v52 =	vadd.s32 v12, v25;
	[tilespmem:s25+$0xFFFFFEF0] =	vst v26;
	v22 =	vld.idx.msk [tilespmem:v45+s14+$0x0], $0xffff  }
0x11b: {  	v57 =	vadd.s32 v13, v16;
	v55 =	vld.idx.msk [tilespmem:v51+s14+$0x0], $0xffff;
	[tilespmem:s28+$0xFFFFFFD0] =	vst v21  }
0x11c: {  	v14 =	vadd.s32 v13, v14;
	[tilespmem:s28+$0xB0] =	vst v20;
	v23 =	vld.idx.msk [tilespmem:v53+s14+$0x0], $0xffff  }
0x11d: {  	v59 =	vadd.s32 v13, v17;
	v60 =	vld.idx.msk [tilespmem:v54+s14+$0x0], $0xffff;
	[tilespmem:s28+$0xFFFFFEF0] =	vst v19  }
0x11e: {  	v62 =	vadd.s32 v13, v24;
	v61 =	vld.idx.msk [tilespmem:v56+s14+$0x0], $0xffff;
	[tilespmem:s28+$0x190] =	vst v27  }
0x11f: {  	v15 =	vadd.s32 v13, v18;
	[tilespmem:s25+$0xC0] =	vst v22;
	v27 =	vld.idx.msk [tilespmem:v52+s14+$0x0], $0xffff  }
0x120: {  	v58 =	vadd.s32 v13, v25;
	[tilespmem:s25+$0xFFFFFF00] =	vst v55;
	v16 =	vld.idx.msk [tilespmem:v57+s14+$0x0], $0xffff  }
0x121: {  	v14 =	vld.idx.msk [tilespmem:v14+s14+$0x0], $0xffff;
	[tilespmem:s28+$0xFFFFFFE0] =	vst v23  }
0x122: {  	[tilespmem:s28+$0xC0] =	vst v60;
	v17 =	vld.idx.msk [tilespmem:v59+s14+$0x0], $0xffff  }
0x123: {  	v19 =	vld.idx.msk [tilespmem:v62+s14+$0x0], $0xffff;
	[tilespmem:s28+$0xFFFFFF00] =	vst v61  }
0x124: {  	v15 =	vld.idx.msk [tilespmem:v15+s14+$0x0], $0xffff;
	[tilespmem:s28+$0x1A0] =	vst v27  }
0x125: {  	[tilespmem:s25+$0xD0] =	vst v16;
	v63 =	vld.idx.msk [tilespmem:v58+s14+$0x0], $0xffff  }
0x126: {  	p1 =	sne.s32 s23, $0x29;
	[tilespmem:s25+$0xFFFFFF10] =	vst v14  }
.Ltmp3:
0x127: {  	s31 =	sadd.s32 s6, s24;
	[tilespmem:s28+$0xFFFFFFF0] =	vst v17;
	(pc) =	sbr.rel @p1 .LBB2_6-.Ltmp3, $4  }
0x128: {  	s25 =	smul.u32 $0xE00, s31;
	[tilespmem:s28+$0xD0] =	vst v19  }
0x129: {  	[tilespmem:s28+$0xFFFFFF10] =	vst v15  }
0x12a: {  	s25 =	sadd.s32 s5, s25;
	[tilespmem:s28+$0x1B0] =	vst v63  }
0x12b: {  	[hbm4b:s25+s4] =	stream.linear.scatter [tilespmem:s17], [sflag:$0x3], $0x7000, $0x38;
	[tilespmem:$0x1C0E0] =	vst v63  }
.Ltmp4:
0x12c: {  	(pc) =	sbr.rel .LBB2_7-.Ltmp4, $4  }
0x12d: {  	_ = 	snop  }
0x12e: {  	_ =	swait.ge [sflag:s18], $0x7000  }
0x12f: {  	[sflag:s18] =	ssyncset.done $0x0  }
0x130: {  	[sflag:s18] =	ssyncadd.s32 $0xFFFF9000  }
.LBB2_6:
0x131: {  	s25 =	sadd.s32 s24, s9  }
0x132: {  	s25 =	smul.u32 $0xE00, s25;
	_ =	sdelay $0x1  }
.Ltmp5:
0x133: {  	s25 =	sadd.s32 s1, s25;
	(pc) =	sbr.rel @p0 .LBB2_8-.Ltmp5, $4  }
0x134: {  	[tilespmem:s14], [sflag:$0x1] =	stream.linear.gather [hbm4b:s25+s4], $0x7000, $0x38;
	[tilespmem:$0x1C0E0] =	vst v63  }
0x135: {  	_ =	swait.ge [sflag:s18], $0x7000  }
0x136: {  	[sflag:s18] =	ssyncset.done $0x0  }
0x137: {  	[sflag:s18] =	ssyncadd.s32 $0xFFFF9000  }
.LBB2_7:
0x138: {  	_ =	swait.ge [sflag:s19], $0x7000  }
0x139: {  	[sflag:s19] =	ssyncset.done $0x0  }
0x13a: {  	[sflag:s19] =	ssyncadd.s32 $0xFFFF9000  }
.LBB2_8:
0x13b: {  	s25 =	simm.s32 $0x3  }
0x13c: {  	s26 =	simm.s32 $0x1;
	v14 =	vmov s25  }
0x13d: {  	s30 =	simm.s32 $0x2;
	v15 =	vmov s26;
	v14 =	vmul.u32 $0xE0, v14  }
0x13e: {  	s31 =	simm.s32 $0x0;
	v16 =	vmov s30;
	v15 =	vmul.u32 $0xE0, v15  }
0x13f: {  	v17 =	vmov s31;
	v16 =	vmul.u32 $0xE0, v16;
	v24 =	vbroadcast v14, $0x0  }
0x140: {  	v14 =	vmul.u32 $0xE0, v17;
	v25 =	vbroadcast v15, $0x0  }
0x141: {  	v21 =	vbroadcast v16, $0x0;
	v15 =	vadd.s32 v0, v24  }
0x142: {  	v20 =	vbroadcast v14, $0x0;
	v14 =	vadd.s32 v0, v25  }
0x143: {  	v16 =	vadd.s32 v0, v21  }
0x144: {  	v17 =	vadd.s32 v0, v20;
	_ =	sdelay $0x1  }
0x145: {  	v15 =	vld.idx.msk [tilespmem:v15+s15+$0x0], $0xffff  }
0x146: {  	v18 =	vadd.s32 v1, v24;
	v14 =	vld.idx.msk [tilespmem:v14+s15+$0x0], $0xffff  }
0x147: {  	v19 =	vadd.s32 v1, v25;
	v16 =	vld.idx.msk [tilespmem:v16+s15+$0x0], $0xffff  }
0x148: {  	v22 =	vadd.s32 v1, v21;
	v17 =	vld.idx.msk [tilespmem:v17+s15+$0x0], $0xffff  }
0x149: {  	s26 =	simm.s32 $0x152A0;
	v23 =	vadd.s32 v1, v20  }
0x14a: {  	[tilespmem:s26+$0xE0] =	vst v15  }
0x14b: {  	[tilespmem:s26+$0xFFFFFF20] =	vst v14;
	v15 =	vld.idx.msk [tilespmem:v18+s15+$0x0], $0xffff  }
0x14c: {  	[tilespmem:s26+$0x0] =	vst v16;
	v16 =	vadd.s32 v2, v24;
	v14 =	vld.idx.msk [tilespmem:v19+s15+$0x0], $0xffff  }
0x14d: {  	v18 =	vadd.s32 v2, v25;
	[tilespmem:s26+$0xFFFFFE40] =	vst v17;
	v17 =	vld.idx.msk [tilespmem:v22+s15+$0x0], $0xffff  }
0x14e: {  	v22 =	vadd.s32 v2, v21;
	v19 =	vld.idx.msk [tilespmem:v23+s15+$0x0], $0xffff  }
0x14f: {  	v23 =	vadd.s32 v2, v20  }
0x150: {  	[tilespmem:s26+$0xF0] =	vst v15  }
0x151: {  	[tilespmem:s26+$0xFFFFFF30] =	vst v14;
	v15 =	vld.idx.msk [tilespmem:v16+s15+$0x0], $0xffff  }
0x152: {  	v14 =	vld.idx.msk [tilespmem:v18+s15+$0x0], $0xffff;
	[tilespmem:s26+$0x10] =	vst v17;
	v16 =	vadd.s32 v3, v24  }
0x153: {  	v18 =	vadd.s32 v3, v25;
	[tilespmem:s26+$0xFFFFFE50] =	vst v19;
	v17 =	vld.idx.msk [tilespmem:v22+s15+$0x0], $0xffff  }
0x154: {  	v22 =	vadd.s32 v3, v21;
	v19 =	vld.idx.msk [tilespmem:v23+s15+$0x0], $0xffff  }
0x155: {  	v23 =	vadd.s32 v3, v20  }
0x156: {  	[tilespmem:s26+$0x100] =	vst v15  }
0x157: {  	[tilespmem:s26+$0xFFFFFF40] =	vst v14;
	v15 =	vld.idx.msk [tilespmem:v16+s15+$0x0], $0xffff  }
0x158: {  	v14 =	vld.idx.msk [tilespmem:v18+s15+$0x0], $0xffff;
	[tilespmem:s26+$0x20] =	vst v17;
	v16 =	vadd.s32 v4, v24  }
0x159: {  	v18 =	vadd.s32 v4, v25;
	[tilespmem:s26+$0xFFFFFE60] =	vst v19;
	v17 =	vld.idx.msk [tilespmem:v22+s15+$0x0], $0xffff  }
0x15a: {  	v22 =	vadd.s32 v4, v21;
	v19 =	vld.idx.msk [tilespmem:v23+s15+$0x0], $0xffff  }
0x15b: {  	v23 =	vadd.s32 v4, v20  }
0x15c: {  	[tilespmem:s26+$0x110] =	vst v15  }
0x15d: {  	[tilespmem:s26+$0xFFFFFF50] =	vst v14;
	v15 =	vld.idx.msk [tilespmem:v16+s15+$0x0], $0xffff  }
0x15e: {  	v14 =	vld.idx.msk [tilespmem:v18+s15+$0x0], $0xffff;
	[tilespmem:s26+$0x30] =	vst v17;
	v16 =	vadd.s32 v5, v24  }
0x15f: {  	v18 =	vadd.s32 v5, v25;
	[tilespmem:s26+$0xFFFFFE70] =	vst v19;
	v17 =	vld.idx.msk [tilespmem:v22+s15+$0x0], $0xffff  }
0x160: {  	v22 =	vadd.s32 v5, v21;
	v19 =	vld.idx.msk [tilespmem:v23+s15+$0x0], $0xffff  }
0x161: {  	v23 =	vadd.s32 v5, v20  }
0x162: {  	s29 =	simm.s32 $0x4;
	[tilespmem:s26+$0x120] =	vst v15  }
0x163: {  	s30 =	simm.s32 $0x5;
	v15 =	vmov s29;
	[tilespmem:s26+$0xFFFFFF60] =	vst v14;
	v16 =	vld.idx.msk [tilespmem:v16+s15+$0x0], $0xffff  }
0x164: {  	v14 =	vmul.u32 $0xE0, v15;
	v15 =	vmov s30;
	v18 =	vld.idx.msk [tilespmem:v18+s15+$0x0], $0xffff;
	[tilespmem:s26+$0x40] =	vst v17;
	v17 =	vadd.s32 v6, v24  }
0x165: {  	v15 =	vmul.u32 $0xE0, v15;
	[tilespmem:s26+$0xFFFFFE80] =	vst v19;
	v19 =	vld.idx.msk [tilespmem:v22+s15+$0x0], $0xffff;
	v22 =	vadd.s32 v6, v25  }
0x166: {  	v26 =	vadd.s32 v6, v21;
	v14 =	vbroadcast v14, $0x0;
	v23 =	vld.idx.msk [tilespmem:v23+s15+$0x0], $0xffff  }
0x167: {  	v27 =	vadd.s32 v6, v20;
	v15 =	vbroadcast v15, $0x0  }
0x168: {  	s31 =	simm.s32 $0x6;
	v28 =	vadd.s32 v0, v14;
	[tilespmem:s26+$0x130] =	vst v16  }
0x169: {  	v29 =	vadd.s32 v0, v15;
	v16 =	vmov s31;
	[tilespmem:s26+$0xFFFFFF70] =	vst v18;
	v17 =	vld.idx.msk [tilespmem:v17+s15+$0x0], $0xffff  }
0x16a: {  	s29 =	simm.s32 $0x7;
	v16 =	vmul.u32 $0xE0, v16;
	v18 =	vld.idx.msk [tilespmem:v22+s15+$0x0], $0xffff;
	[tilespmem:s26+$0x50] =	vst v19;
	v22 =	vadd.s32 v7, v24  }
0x16b: {  	v19 =	vmov s29;
	[tilespmem:s26+$0xFFFFFE90] =	vst v23;
	v23 =	vld.idx.msk [tilespmem:v26+s15+$0x0], $0xffff;
	v26 =	vadd.s32 v7, v25  }
0x16c: {  	v30 =	vadd.s32 v7, v21;
	v19 =	vmul.u32 $0xE0, v19;
	v16 =	vbroadcast v16, $0x0;
	v27 =	vld.idx.msk [tilespmem:v27+s15+$0x0], $0xffff  }
0x16d: {  	v31 =	vadd.s32 v7, v20;
	v28 =	vld.idx.msk [tilespmem:v28+s15+$0x0], $0xffff  }
0x16e: {  	v19 =	vbroadcast v19, $0x0;
	v29 =	vld.idx.msk [tilespmem:v29+s15+$0x0], $0xffff;
	v32 =	vadd.s32 v0, v16;
	[tilespmem:s26+$0x140] =	vst v17  }
0x16f: {  	s30 =	simm.s32 $0x8;
	v59 =	vadd.s32 v1, v14;
	[tilespmem:s26+$0xFFFFFF80] =	vst v18;
	v22 =	vld.idx.msk [tilespmem:v22+s15+$0x0], $0xffff  }
0x170: {  	s31 =	simm.s32 $0x9;
	v17 =	vmov s30;
	v33 =	vadd.s32 v0, v19;
	v26 =	vld.idx.msk [tilespmem:v26+s15+$0x0], $0xffff;
	[tilespmem:s26+$0x60] =	vst v23  }
0x171: {  	v18 =	vmov s31;
	v17 =	vmul.u32 $0xE0, v17;
	v23 =	vadd.s32 v8, v24;
	[tilespmem:s26+$0xFFFFFEA0] =	vst v27;
	v27 =	vld.idx.msk [tilespmem:v30+s15+$0x0], $0xffff  }
0x172: {  	s25 =	simm.s32 $0x15620;
	v34 =	vadd.s32 v8, v25;
	v30 =	vmul.u32 $0xE0, v18;
	v31 =	vld.idx.msk [tilespmem:v31+s15+$0x0], $0xffff  }
0x173: {  	v35 =	vadd.s32 v8, v21;
	v18 =	vbroadcast v17, $0x0;
	[tilespmem:s25+$0xFFFFFE40] =	vst v28;
	v32 =	vld.idx.msk [tilespmem:v32+s15+$0x0], $0xffff  }
0x174: {  	v17 =	vbroadcast v30, $0x0;
	v30 =	vadd.s32 v8, v20;
	v63 =	vld.idx.msk [tilespmem:v59+s15+$0x0], $0xffff  }
0x175: {  	v36 =	vadd.s32 v0, v18;
	v33 =	vld.idx.msk [tilespmem:v33+s15+$0x0], $0xffff;
	[tilespmem:s26+$0x150] =	vst v22  }
0x176: {  	v58 =	vadd.s32 v1, v16;
	[tilespmem:s26+$0xFFFFFF90] =	vst v26;
	v26 =	vld.idx.msk [tilespmem:v23+s15+$0x0], $0xffff  }
0x177: {  	v38 =	vadd.s32 v1, v19;
	v34 =	vld.idx.msk [tilespmem:v34+s15+$0x0], $0xffff;
	[tilespmem:s26+$0x70] =	vst v27  }
0x178: {  	v37 =	vadd.s32 v0, v17;
	[tilespmem:s26+$0xFFFFFEB0] =	vst v31;
	v27 =	vld.idx.msk [tilespmem:v35+s15+$0x0], $0xffff  }
0x179: {  	[tilespmem:s25+$0xFFFFFF20] =	vst v29;
	v31 =	vadd.s32 v9, v24;
	v30 =	vld.idx.msk [tilespmem:v30+s15+$0x0], $0xffff  }
0x17a: {  	v57 =	vadd.s32 v1, v15;
	[tilespmem:s25+$0x0] =	vst v32;
	v22 =	vld.idx.msk [tilespmem:v36+s15+$0x0], $0xffff  }
0x17b: {  	v60 =	vadd.s32 v9, v25;
	[tilespmem:s25+$0xE0] =	vst v33;
	v28 =	vld.idx.msk [tilespmem:v58+s15+$0x0], $0xffff  }
0x17c: {  	v41 =	vadd.s32 v2, v16;
	[tilespmem:s25+$0xFFFFFE50] =	vst v63;
	v33 =	vld.idx.msk [tilespmem:v38+s15+$0x0], $0xffff  }
0x17d: {  	v61 =	vadd.s32 v2, v19;
	v23 =	vld.idx.msk [tilespmem:v37+s15+$0x0], $0xffff;
	[tilespmem:s26+$0x160] =	vst v26  }
0x17e: {  	v26 =	vadd.s32 v9, v21;
	[tilespmem:s26+$0xFFFFFFA0] =	vst v34;
	v29 =	vld.idx.msk [tilespmem:v31+s15+$0x0], $0xffff  }
0x17f: {  	v31 =	vld.idx.msk [tilespmem:v57+s15+$0x0], $0xffff;
	[tilespmem:s26+$0x80] =	vst v27;
	v27 =	vadd.s32 v2, v14  }
0x180: {  	v62 =	vadd.s32 v10, v24;
	v38 =	vld.idx.msk [tilespmem:v60+s15+$0x0], $0xffff;
	[tilespmem:s25+$0x10] =	vst v28  }
0x181: {  	v42 =	vadd.s32 v9, v20;
	[tilespmem:s25+$0xF0] =	vst v33;
	v34 =	vld.idx.msk [tilespmem:v41+s15+$0x0], $0xffff  }
0x182: {  	v40 =	vadd.s32 v2, v15;
	[tilespmem:s26+$0xFFFFFEC0] =	vst v30;
	v32 =	vld.idx.msk [tilespmem:v61+s15+$0x0], $0xffff  }
0x183: {  	v26 =	vld.idx.msk [tilespmem:v26+s15+$0x0], $0xffff;
	[tilespmem:s26+$0x170] =	vst v29;
	v29 =	vadd.s32 v10, v25  }
0x184: {  	v28 =	vadd.s32 v3, v19;
	[tilespmem:s25+$0xFFFFFF30] =	vst v31;
	v27 =	vld.idx.msk [tilespmem:v27+s15+$0x0], $0xffff  }
0x185: {  	v30 =	vadd.s32 v3, v16;
	[tilespmem:s26+$0xFFFFFFB0] =	vst v38;
	v31 =	vld.idx.msk [tilespmem:v62+s15+$0x0], $0xffff  }
0x186: {  	v47 =	vadd.s32 v10, v21;
	v33 =	vld.idx.msk [tilespmem:v42+s15+$0x0], $0xffff;
	[tilespmem:s25+$0x20] =	vst v34  }
0x187: {  	v46 =	vadd.s32 v3, v14;
	v43 =	vld.idx.msk [tilespmem:v40+s15+$0x0], $0xffff;
	[tilespmem:s25+$0x100] =	vst v32  }
0x188: {  	v44 =	vadd.s32 v11, v24;
	[tilespmem:s26+$0x90] =	vst v26;
	v29 =	vld.idx.msk [tilespmem:v29+s15+$0x0], $0xffff  }
0x189: {  	v45 =	vadd.s32 v3, v15;
	v28 =	vld.idx.msk [tilespmem:v28+s15+$0x0], $0xffff;
	[tilespmem:s25+$0xFFFFFE60] =	vst v27  }
0x18a: {  	v27 =	vld.idx.msk [tilespmem:v30+s15+$0x0], $0xffff;
	[tilespmem:s26+$0x180] =	vst v31;
	v31 =	vadd.s32 v10, v20  }
0x18b: {  	v50 =	vadd.s32 v4, v19;
	v32 =	vld.idx.msk [tilespmem:v47+s15+$0x0], $0xffff  }
0x18c: {  	s28 =	simm.s32 $0xA;
	v54 =	vadd.s32 v11, v25;
	v26 =	vadd.s32 v4, v16;
	v51 =	vld.idx.msk [tilespmem:v46+s15+$0x0], $0xffff  }
0x18d: {  	v56 =	vadd.s32 v13, v24;
	v30 =	vadd.s32 v12, v24;
	v24 =	vmov s28;
	[tilespmem:s25+$0xFFFFFF40] =	vst v43;
	v48 =	vld.idx.msk [tilespmem:v44+s15+$0x0], $0xffff  }
0x18e: {  	v53 =	vadd.s32 v4, v14;
	[tilespmem:s26+$0xFFFFFED0] =	vst v33;
	v24 =	vmul.u32 $0xE0, v24;
	v49 =	vld.idx.msk [tilespmem:v45+s15+$0x0], $0xffff  }
0x18f: {  	[tilespmem:s25+$0x110] =	vst v28;
	v28 =	vld.idx.msk [tilespmem:v31+s15+$0x0], $0xffff  }
0x190: {  	v52 =	vadd.s32 v4, v15;
	v24 =	vbroadcast v24, $0x0;
	[tilespmem:s25+$0x30] =	vst v27;
	v31 =	vld.idx.msk [tilespmem:v50+s15+$0x0], $0xffff  }
0x191: {  	v55 =	vadd.s32 v11, v21;
	[tilespmem:s26+$0xFFFFFFC0] =	vst v29;
	v26 =	vld.idx.msk [tilespmem:v26+s15+$0x0], $0xffff  }
0x192: {  	v60 =	vadd.s32 v0, v24;
	[tilespmem:s25+$0xFFFFFE70] =	vst v51;
	v34 =	vld.idx.msk [tilespmem:v54+s15+$0x0], $0xffff  }
0x193: {  	v27 =	vadd.s32 v5, v19;
	[tilespmem:s26+$0x190] =	vst v48;
	v33 =	vld.idx.msk [tilespmem:v53+s15+$0x0], $0xffff  }
0x194: {  	v29 =	vadd.s32 v5, v16;
	[tilespmem:s25+$0xFFFFFF50] =	vst v49;
	v30 =	vld.idx.msk [tilespmem:v30+s15+$0x0], $0xffff  }
0x195: {  	v58 =	vadd.s32 v5, v14;
	[tilespmem:s26+$0xA0] =	vst v32;
	v36 =	vld.idx.msk [tilespmem:v52+s15+$0x0], $0xffff  }
0x196: {  	v57 =	vadd.s32 v5, v15;
	v39 =	vld.idx.msk [tilespmem:v55+s15+$0x0], $0xffff;
	[tilespmem:s25+$0x120] =	vst v31  }
0x197: {  	[tilespmem:s25+$0x40] =	vst v26;
	v26 =	vld.idx.msk [tilespmem:v60+s15+$0x0], $0xffff  }
0x198: {  	v31 =	vld.idx.msk [tilespmem:v27+s15+$0x0], $0xffff;
	v27 =	vadd.s32 v11, v20;
	[tilespmem:s25+$0xFFFFFE80] =	vst v33  }
0x199: {  	v62 =	vld.idx.msk [tilespmem:v29+s15+$0x0], $0xffff;
	[tilespmem:s26+$0x1A0] =	vst v30;
	v30 =	vadd.s32 v12, v25  }
0x19a: {  	v29 =	vadd.s32 v6, v19;
	[tilespmem:s25+$0xFFFFFF60] =	vst v36;
	v32 =	vld.idx.msk [tilespmem:v58+s15+$0x0], $0xffff  }
0x19b: {  	v40 =	vadd.s32 v6, v16;
	[tilespmem:s26+$0xFFFFFEE0] =	vst v28;
	v61 =	vld.idx.msk [tilespmem:v57+s15+$0x0], $0xffff  }
0x19c: {  	v63 =	vadd.s32 v6, v15;
	[tilespmem:s26+$0xFFFFFFD0] =	vst v34;
	v59 =	vld.idx.msk [tilespmem:v56+s15+$0x0], $0xffff  }
0x19d: {  	v41 =	vadd.s32 v6, v14;
	[tilespmem:s26+$0xB0] =	vst v39;
	v27 =	vld.idx.msk [tilespmem:v27+s15+$0x0], $0xffff  }
0x19e: {  	v34 =	vadd.s32 v12, v21;
	[tilespmem:s25+$0x130] =	vst v31;
	v28 =	vld.idx.msk [tilespmem:v30+s15+$0x0], $0xffff  }
0x19f: {  	v36 =	vadd.s32 v12, v20;
	[tilespmem:s25+$0x50] =	vst v62;
	v31 =	vld.idx.msk [tilespmem:v29+s15+$0x0], $0xffff  }
0x1a0: {  	v33 =	vadd.s32 v13, v25;
	v30 =	vld.idx.msk [tilespmem:v40+s15+$0x0], $0xffff;
	[tilespmem:s25+$0xFFFFFF70] =	vst v61  }
0x1a1: {  	v37 =	vadd.s32 v7, v19;
	s28 =	simm.s32 $0xB;
	[tilespmem:s25+$0xFFFFFE90] =	vst v32;
	v29 =	vld.idx.msk [tilespmem:v63+s15+$0x0], $0xffff  }
0x1a2: {  	v35 =	vadd.s32 v7, v15;
	v25 =	vmov s28;
	s28 =	simm.s32 $0xC;
	[tilespmem:s26+$0x1B0] =	vst v59;
	v32 =	vld.idx.msk [tilespmem:v41+s15+$0x0], $0xffff  }
.LBB2_9:
0x1a3: {  	p0 =	slt.u32 s28, $0x7C;
	v25 =	vmul.u32 $0xE0, v25;
	v38 =	vadd.s32 v7, v16;
	[tilespmem:s26+$0xFFFFFEF0] =	vst v27;
	v34 =	vld.idx.msk [tilespmem:v34+s15+$0x0], $0xffff  }
0x1a4: {  	v39 =	vadd.s32 v7, v14;
	v36 =	vld.idx.msk [tilespmem:v36+s15+$0x0], $0xffff;
	[tilespmem:s26+$0xFFFFFFE0] =	vst v28  }
0x1a5: {  	v27 =	vbroadcast v25, $0x0;
	[tilespmem:s25+$0x140] =	vst v31;
	v28 =	vld.idx.msk [tilespmem:v33+s15+$0x0], $0xffff;
	v25 =	vadd.s32 v13, v21;
	v21 =	vmovc v16;
	v16 =	vmov v24  }
0x1a6: {  	[tilespmem:s25+$0xFFFFFF80] =	vst v29;
	v24 =	vld.idx.msk [tilespmem:v37+s15+$0x0], $0xffff;
	v29 =	vadd.s32 v13, v20;
	v20 =	vmov v14;
	v14 =	vmov v18  }
0x1a7: {  	s29 =	sadd.s32 $0x1, s28;
	v18 =	vmov s28;
	v31 =	vadd.s32 v0, v27;
	v33 =	vld.idx.msk [tilespmem:v35+s15+$0x0], $0xffff;
	[tilespmem:s25+$0x60] =	vst v30  }
0x1a8: {  	v18 =	vmul.u32 $0xE0, v18;
	v30 =	vmov s29;
	v35 =	vadd.s32 v8, v19;
	[tilespmem:s25+$0xFFFFFEA0] =	vst v32;
	v32 =	vld.idx.msk [tilespmem:v38+s15+$0x0], $0xffff  }
0x1a9: {  	v30 =	vmul.u32 $0xE0, v30;
	v38 =	vadd.s32 v8, v15;
	v37 =	vld.idx.msk [tilespmem:v39+s15+$0x0], $0xffff;
	[tilespmem:s26+$0xC0] =	vst v34  }
0x1aa: {  	v18 =	vbroadcast v18, $0x0;
	v34 =	vadd.s32 v8, v21;
	[tilespmem:s26+$0xFFFFFF00] =	vst v36;
	v36 =	vld.idx.msk [tilespmem:v25+s15+$0x0], $0xffff  }
0x1ab: {  	v25 =	vbroadcast v30, $0x0;
	v30 =	vadd.s32 v8, v20;
	v29 =	vld.idx.msk [tilespmem:v29+s15+$0x0], $0xffff;
	[tilespmem:s26+$0xFFFFFFF0] =	vst v28  }
0x1ac: {  	v28 =	vadd.s32 v0, v18;
	v31 =	vld.idx.msk [tilespmem:v31+s15+$0x0], $0xffff;
	[tilespmem:s25+$0x150] =	vst v24  }
0x1ad: {  	v24 =	vadd.s32 v0, v25;
	[tilespmem:s25+$0xFFFFFF90] =	vst v33;
	v33 =	vld.idx.msk [tilespmem:v35+s15+$0x0], $0xffff  }
0x1ae: {  	v35 =	vadd.s32 v1, v27;
	v38 =	vld.idx.msk [tilespmem:v38+s15+$0x0], $0xffff;
	[tilespmem:s25+$0x70] =	vst v32  }
0x1af: {  	[tilespmem:s25+$0xFFFFFEB0] =	vst v37;
	v32 =	vld.idx.msk [tilespmem:v34+s15+$0x0], $0xffff;
	v34 =	vadd.s32 v9, v19  }
0x1b0: {  	v37 =	vadd.s32 v1, v17;
	v30 =	vld.idx.msk [tilespmem:v30+s15+$0x0], $0xffff;
	[tilespmem:s26+$0xD0] =	vst v36  }
0x1b1: {  	v36 =	vadd.s32 v1, v16;
	v28 =	vld.idx.msk [tilespmem:v28+s15+$0x0], $0xffff;
	[tilespmem:s26+$0xFFFFFF10] =	vst v29;
	s26 =	smov.u32 s25;
	s25 =	sadd.s32 $0x380, s25  }
0x1b2: {  	v29 =	vadd.s32 v1, v14;
	v24 =	vld.idx.msk [tilespmem:v24+s15+$0x0], $0xffff;
	[tilespmem:s25+$0xE0] =	vst v31  }
0x1b3: {  	v31 =	vld.idx.msk [tilespmem:v35+s15+$0x0], $0xffff;
	v35 =	vadd.s32 v9, v15;
	[tilespmem:s26+$0x160] =	vst v33  }
0x1b4: {  	v33 =	vadd.s32 v9, v21;
	[tilespmem:s25+$0xFFFFFF20] =	vst v23;
	v34 =	vld.idx.msk [tilespmem:v34+s15+$0x0], $0xffff  }
0x1b5: {  	v37 =	vld.idx.msk [tilespmem:v37+s15+$0x0], $0xffff;
	[tilespmem:s25+$0x0] =	vst v26;
	v26 =	vadd.s32 v2, v27  }
0x1b6: {  	v39 =	vadd.s32 v10, v19;
	[tilespmem:s25+$0xFFFFFE40] =	vst v22;
	v36 =	vld.idx.msk [tilespmem:v36+s15+$0x0], $0xffff  }
0x1b7: {  	v40 =	vadd.s32 v2, v17;
	v22 =	vmov v28;
	v29 =	vld.idx.msk [tilespmem:v29+s15+$0x0], $0xffff;
	[tilespmem:s26+$0xFFFFFFA0] =	vst v38  }
0x1b8: {  	v28 =	vadd.s32 v2, v16;
	v23 =	vmov v24;
	v35 =	vld.idx.msk [tilespmem:v35+s15+$0x0], $0xffff;
	[tilespmem:s26+$0x80] =	vst v32  }
0x1b9: {  	v24 =	vadd.s32 v2, v14;
	[tilespmem:s25+$0xF0] =	vst v31;
	v31 =	vld.idx.msk [tilespmem:v33+s15+$0x0], $0xffff  }
0x1ba: {  	v32 =	vadd.s32 v9, v20;
	v26 =	vld.idx.msk [tilespmem:v26+s15+$0x0], $0xffff;
	[tilespmem:s26+$0x170] =	vst v34  }
0x1bb: {  	v33 =	vadd.s32 v10, v15;
	[tilespmem:s25+$0xFFFFFF30] =	vst v37;
	v34 =	vld.idx.msk [tilespmem:v39+s15+$0x0], $0xffff  }
0x1bc: {  	v37 =	vld.idx.msk [tilespmem:v40+s15+$0x0], $0xffff;
	[tilespmem:s25+$0x10] =	vst v36;
	v36 =	vadd.s32 v3, v27  }
0x1bd: {  	[tilespmem:s25+$0xFFFFFE50] =	vst v29;
	v28 =	vld.idx.msk [tilespmem:v28+s15+$0x0], $0xffff;
	v29 =	vadd.s32 v11, v19  }
0x1be: {  	v38 =	vadd.s32 v3, v17;
	v24 =	vld.idx.msk [tilespmem:v24+s15+$0x0], $0xffff;
	[tilespmem:s26+$0xFFFFFEC0] =	vst v30  }
0x1bf: {  	v30 =	vadd.s32 v3, v16;
	v32 =	vld.idx.msk [tilespmem:v32+s15+$0x0], $0xffff;
	[tilespmem:s26+$0xFFFFFFB0] =	vst v35  }
0x1c0: {  	v35 =	vadd.s32 v3, v14;
	[tilespmem:s25+$0x100] =	vst v26;
	v26 =	vld.idx.msk [tilespmem:v33+s15+$0x0], $0xffff  }
0x1c1: {  	v33 =	vld.idx.msk [tilespmem:v36+s15+$0x0], $0xffff;
	v36 =	vadd.s32 v10, v21;
	[tilespmem:s26+$0x180] =	vst v34  }
0x1c2: {  	v34 =	vadd.s32 v10, v20;
	[tilespmem:s25+$0xFFFFFF40] =	vst v37;
	v29 =	vld.idx.msk [tilespmem:v29+s15+$0x0], $0xffff  }
0x1c3: {  	v37 =	vld.idx.msk [tilespmem:v38+s15+$0x0], $0xffff;
	[tilespmem:s25+$0x20] =	vst v28;
	v28 =	vadd.s32 v4, v27  }
0x1c4: {  	[tilespmem:s25+$0xFFFFFE60] =	vst v24;
	v24 =	vld.idx.msk [tilespmem:v30+s15+$0x0], $0xffff;
	v30 =	vadd.s32 v12, v19  }
0x1c5: {  	v38 =	vadd.s32 v4, v17;
	v35 =	vld.idx.msk [tilespmem:v35+s15+$0x0], $0xffff;
	[tilespmem:s26+$0x90] =	vst v31  }
0x1c6: {  	v31 =	vadd.s32 v4, v16;
	[tilespmem:s26+$0xFFFFFED0] =	vst v32;
	v32 =	vld.idx.msk [tilespmem:v36+s15+$0x0], $0xffff  }
0x1c7: {  	v36 =	vadd.s32 v4, v14;
	[tilespmem:s25+$0x110] =	vst v33;
	v33 =	vld.idx.msk [tilespmem:v34+s15+$0x0], $0xffff  }
0x1c8: {  	v34 =	vadd.s32 v11, v15;
	v28 =	vld.idx.msk [tilespmem:v28+s15+$0x0], $0xffff;
	[tilespmem:s26+$0x190] =	vst v29  }
0x1c9: {  	v29 =	vadd.s32 v11, v21;
	[tilespmem:s25+$0xFFFFFF50] =	vst v37;
	v30 =	vld.idx.msk [tilespmem:v30+s15+$0x0], $0xffff  }
0x1ca: {  	v37 =	vld.idx.msk [tilespmem:v38+s15+$0x0], $0xffff;
	[tilespmem:s25+$0x30] =	vst v24;
	v38 =	vadd.s32 v5, v27  }
0x1cb: {  	s29 =	sadd.s32 $0x2, s28;
	[tilespmem:s25+$0xFFFFFE70] =	vst v35;
	v31 =	vld.idx.msk [tilespmem:v31+s15+$0x0], $0xffff;
	v35 =	vadd.s32 v13, v19;
	v19 =	vmov v27  }
0x1cc: {  	v24 =	vmov s29;
	v27 =	vld.idx.msk [tilespmem:v36+s15+$0x0], $0xffff;
	v36 =	vadd.s32 v5, v17;
	[tilespmem:s26+$0xFFFFFFC0] =	vst v26  }
0x1cd: {  	v24 =	vmul.u32 $0xE0, v24;
	v26 =	vadd.s32 v5, v16;
	v34 =	vld.idx.msk [tilespmem:v34+s15+$0x0], $0xffff;
	[tilespmem:s26+$0xA0] =	vst v32  }
0x1ce: {  	v32 =	vadd.s32 v5, v14;
	[tilespmem:s25+$0x120] =	vst v28;
	v39 =	vld.idx.msk [tilespmem:v29+s15+$0x0], $0xffff  }
0x1cf: {  	v24 =	vbroadcast v24, $0x0;
	v29 =	vadd.s32 v11, v20;
	v28 =	vld.idx.msk [tilespmem:v38+s15+$0x0], $0xffff;
	[tilespmem:s26+$0x1A0] =	vst v30  }
0x1d0: {  	v30 =	vadd.s32 v12, v15;
	[tilespmem:s25+$0xFFFFFF60] =	vst v37;
	v35 =	vld.idx.msk [tilespmem:v35+s15+$0x0], $0xffff  }
0x1d1: {  	v37 =	vadd.s32 v0, v24;
	v36 =	vld.idx.msk [tilespmem:v36+s15+$0x0], $0xffff;
	[tilespmem:s25+$0x40] =	vst v31  }
0x1d2: {  	v31 =	vadd.s32 v6, v19;
	[tilespmem:s25+$0xFFFFFE80] =	vst v27;
	v38 =	vld.idx.msk [tilespmem:v26+s15+$0x0], $0xffff  }
0x1d3: {  	v40 =	vadd.s32 v6, v17;
	v32 =	vld.idx.msk [tilespmem:v32+s15+$0x0], $0xffff;
	[tilespmem:s26+$0xFFFFFEE0] =	vst v33  }
0x1d4: {  	v41 =	vadd.s32 v6, v16;
	v27 =	vld.idx.msk [tilespmem:v29+s15+$0x0], $0xffff;
	[tilespmem:s26+$0xFFFFFFD0] =	vst v34  }
0x1d5: {  	v42 =	vadd.s32 v6, v14;
	[tilespmem:s25+$0x130] =	vst v28;
	v28 =	vld.idx.msk [tilespmem:v30+s15+$0x0], $0xffff  }
.Ltmp6:
0x1d6: {  	v34 =	vadd.s32 v12, v21;
	v26 =	vld.idx.msk [tilespmem:v37+s15+$0x0], $0xffff;
	[tilespmem:s26+$0x1B0] =	vst v35;
	(pc) =	sbr.rel @p0 .LBB2_9-.Ltmp6, $4  }
0x1d7: {  	[tilespmem:s25+$0xFFFFFF70] =	vst v36;
	v31 =	vld.idx.msk [tilespmem:v31+s15+$0x0], $0xffff;
	v36 =	vadd.s32 v12, v20  }
0x1d8: {  	v33 =	vadd.s32 v13, v15;
	v15 =	vmov v17;
	v17 =	vmov v25;
	v29 =	vld.idx.msk [tilespmem:v40+s15+$0x0], $0xffff;
	[tilespmem:s25+$0x50] =	vst v38  }
0x1d9: {  	s29 =	sadd.s32 $0x3, s28;
	v37 =	vadd.s32 v7, v19;
	[tilespmem:s25+$0xFFFFFE90] =	vst v32;
	v30 =	vld.idx.msk [tilespmem:v41+s15+$0x0], $0xffff  }
0x1da: {  	s28 =	sadd.s32 $0x4, s28;
	v25 =	vmov s29;
	v35 =	vadd.s32 v7, v15;
	v32 =	vld.idx.msk [tilespmem:v42+s15+$0x0], $0xffff;
	[tilespmem:s26+$0xB0] =	vst v39  }
0x1db: {  	[tilespmem:s26+$0xFFFFFEF0] =	vst v27  }
0x1dc: {  	[tilespmem:s26+$0xFFFFFFE0] =	vst v28  }
0x1dd: {  	v25 =	vmul.u32 $0xE0, v25;
	s28 =	sadd.s32 $0x380, s25;
	[tilespmem:s25+$0x140] =	vst v31  }
0x1de: {  	[tilespmem:s28+$0xFFFFFF20] =	vst v23  }
0x1df: {  	v41 =	vadd.s32 v7, v16;
	v34 =	vld.idx.msk [tilespmem:v34+s15+$0x0], $0xffff;
	[tilespmem:s28+$0x0] =	vst v26;
	v25 =	vbroadcast v25, $0x0  }
0x1e0: {  	v42 =	vadd.s32 v7, v14;
	v36 =	vld.idx.msk [tilespmem:v36+s15+$0x0], $0xffff;
	[tilespmem:s28+$0xFFFFFE40] =	vst v22  }
0x1e1: {  	v43 =	vld.idx.msk [tilespmem:v33+s15+$0x0], $0xffff;
	[tilespmem:s25+$0xFFFFFF80] =	vst v29;
	v44 =	vadd.s32 v0, v25  }
0x1e2: {  	v48 =	vadd.s32 v1, v17;
	v45 =	vld.idx.msk [tilespmem:v37+s15+$0x0], $0xffff;
	[tilespmem:s25+$0x60] =	vst v30  }
0x1e3: {  	v49 =	vadd.s32 v1, v24;
	v46 =	vld.idx.msk [tilespmem:v35+s15+$0x0], $0xffff;
	[tilespmem:s25+$0xFFFFFEA0] =	vst v32  }
0x1e4: {  	v50 =	vadd.s32 v1, v18;
	v27 =	vld.idx.msk [tilespmem:v41+s15+$0x0], $0xffff;
	[tilespmem:s26+$0xC0] =	vst v34  }
0x1e5: {  	v21 =	vadd.s32 v13, v21;
	v28 =	vld.idx.msk [tilespmem:v42+s15+$0x0], $0xffff;
	[tilespmem:s26+$0xFFFFFF00] =	vst v36  }
0x1e6: {  	v20 =	vadd.s32 v13, v20;
	[tilespmem:s26+$0xFFFFFFF0] =	vst v43;
	v29 =	vld.idx.msk [tilespmem:v44+s15+$0x0], $0xffff  }
0x1e7: {  	v47 =	vadd.s32 v1, v25;
	v23 =	vld.idx.msk [tilespmem:v48+s15+$0x0], $0xffff;
	[tilespmem:s25+$0x150] =	vst v45  }
0x1e8: {  	v51 =	vadd.s32 v8, v19;
	v54 =	vld.idx.msk [tilespmem:v49+s15+$0x0], $0xffff;
	[tilespmem:s25+$0xFFFFFF90] =	vst v46  }
0x1e9: {  	v55 =	vadd.s32 v2, v17;
	v56 =	vld.idx.msk [tilespmem:v50+s15+$0x0], $0xffff;
	[tilespmem:s25+$0x70] =	vst v27  }
0x1ea: {  	v57 =	vadd.s32 v2, v24;
	v21 =	vld.idx.msk [tilespmem:v21+s15+$0x0], $0xffff;
	[tilespmem:s25+$0xFFFFFEB0] =	vst v28  }
0x1eb: {  	v59 =	vadd.s32 v2, v18;
	v20 =	vld.idx.msk [tilespmem:v20+s15+$0x0], $0xffff;
	[tilespmem:s28+$0xE0] =	vst v29  }
0x1ec: {  	v60 =	vadd.s32 v8, v16;
	[tilespmem:s28+$0xFFFFFF30] =	vst v23;
	v31 =	vld.idx.msk [tilespmem:v47+s15+$0x0], $0xffff  }
0x1ed: {  	v53 =	vadd.s32 v2, v25;
	v58 =	vld.idx.msk [tilespmem:v51+s15+$0x0], $0xffff;
	[tilespmem:s28+$0x10] =	vst v54  }
0x1ee: {  	v52 =	vadd.s32 v8, v15;
	[tilespmem:s28+$0xFFFFFE50] =	vst v56;
	v23 =	vld.idx.msk [tilespmem:v55+s15+$0x0], $0xffff  }
0x1ef: {  	v36 =	vadd.s32 v3, v17;
	[tilespmem:s26+$0xD0] =	vst v21;
	v63 =	vld.idx.msk [tilespmem:v57+s15+$0x0], $0xffff  }
0x1f0: {  	v37 =	vadd.s32 v3, v24;
	[tilespmem:s26+$0xFFFFFF10] =	vst v20;
	v20 =	vld.idx.msk [tilespmem:v59+s15+$0x0], $0xffff  }
0x1f1: {  	v39 =	vadd.s32 v3, v18;
	v38 =	vld.idx.msk [tilespmem:v60+s15+$0x0], $0xffff;
	[tilespmem:s28+$0xF0] =	vst v31  }
0x1f2: {  	v40 =	vadd.s32 v8, v14;
	[tilespmem:s25+$0x160] =	vst v58;
	v26 =	vld.idx.msk [tilespmem:v53+s15+$0x0], $0xffff  }
0x1f3: {  	v62 =	vadd.s32 v3, v25;
	v29 =	vld.idx.msk [tilespmem:v52+s15+$0x0], $0xffff;
	[tilespmem:s28+$0xFFFFFF40] =	vst v23  }
0x1f4: {  	v61 =	vadd.s32 v9, v19;
	[tilespmem:s28+$0x20] =	vst v63;
	v23 =	vld.idx.msk [tilespmem:v36+s15+$0x0], $0xffff  }
0x1f5: {  	v44 =	vadd.s32 v4, v17;
	[tilespmem:s28+$0xFFFFFE60] =	vst v20;
	v43 =	vld.idx.msk [tilespmem:v37+s15+$0x0], $0xffff  }
0x1f6: {  	v46 =	vadd.s32 v4, v24;
	[tilespmem:s25+$0x80] =	vst v38;
	v45 =	vld.idx.msk [tilespmem:v39+s15+$0x0], $0xffff  }
0x1f7: {  	v48 =	vadd.s32 v4, v18;
	v47 =	vld.idx.msk [tilespmem:v40+s15+$0x0], $0xffff;
	[tilespmem:s28+$0x100] =	vst v26  }
0x1f8: {  	v41 =	vadd.s32 v9, v15;
	[tilespmem:s25+$0xFFFFFFA0] =	vst v29;
	v22 =	vld.idx.msk [tilespmem:v62+s15+$0x0], $0xffff  }
0x1f9: {  	v42 =	vadd.s32 v4, v25;
	v31 =	vld.idx.msk [tilespmem:v61+s15+$0x0], $0xffff;
	[tilespmem:s28+$0xFFFFFF50] =	vst v23  }
0x1fa: {  	v49 =	vadd.s32 v10, v19;
	[tilespmem:s28+$0x30] =	vst v43;
	v23 =	vld.idx.msk [tilespmem:v44+s15+$0x0], $0xffff  }
0x1fb: {  	v53 =	vadd.s32 v5, v17;
	[tilespmem:s28+$0xFFFFFE70] =	vst v45;
	v52 =	vld.idx.msk [tilespmem:v46+s15+$0x0], $0xffff  }
0x1fc: {  	v55 =	vadd.s32 v5, v24;
	[tilespmem:s25+$0xFFFFFEC0] =	vst v47;
	v54 =	vld.idx.msk [tilespmem:v48+s15+$0x0], $0xffff  }
0x1fd: {  	v57 =	vadd.s32 v5, v18;
	v26 =	vld.idx.msk [tilespmem:v41+s15+$0x0], $0xffff;
	[tilespmem:s28+$0x110] =	vst v22  }
0x1fe: {  	v50 =	vadd.s32 v9, v16;
	[tilespmem:s25+$0x170] =	vst v31;
	v21 =	vld.idx.msk [tilespmem:v42+s15+$0x0], $0xffff  }
0x1ff: {  	v51 =	vadd.s32 v5, v25;
	v56 =	vld.idx.msk [tilespmem:v49+s15+$0x0], $0xffff;
	[tilespmem:s28+$0xFFFFFF60] =	vst v23  }
0x200: {  	v58 =	vadd.s32 v9, v14;
	[tilespmem:s28+$0x40] =	vst v52;
	v23 =	vld.idx.msk [tilespmem:v53+s15+$0x0], $0xffff  }
0x201: {  	v62 =	vadd.s32 v6, v17;
	[tilespmem:s28+$0xFFFFFE80] =	vst v54;
	v61 =	vld.idx.msk [tilespmem:v55+s15+$0x0], $0xffff  }
0x202: {  	v63 =	vadd.s32 v6, v24;
	[tilespmem:s25+$0xFFFFFFB0] =	vst v26;
	v26 =	vld.idx.msk [tilespmem:v57+s15+$0x0], $0xffff  }
0x203: {  	v37 =	vadd.s32 v6, v18;
	v22 =	vld.idx.msk [tilespmem:v50+s15+$0x0], $0xffff;
	[tilespmem:s28+$0x120] =	vst v21  }
0x204: {  	v59 =	vadd.s32 v11, v19;
	[tilespmem:s25+$0x180] =	vst v56;
	v20 =	vld.idx.msk [tilespmem:v51+s15+$0x0], $0xffff  }
0x205: {  	v60 =	vadd.s32 v6, v25;
	v36 =	vld.idx.msk [tilespmem:v58+s15+$0x0], $0xffff;
	[tilespmem:s28+$0xFFFFFF70] =	vst v23  }
0x206: {  	v38 =	vadd.s32 v10, v15;
	[tilespmem:s28+$0x50] =	vst v61;
	v41 =	vld.idx.msk [tilespmem:v62+s15+$0x0], $0xffff  }
0x207: {  	v44 =	vadd.s32 v7, v17;
	v43 =	vld.idx.msk [tilespmem:v63+s15+$0x0], $0xffff;
	[tilespmem:s28+$0xFFFFFE90] =	vst v26  }
0x208: {  	v45 =	vadd.s32 v7, v24;
	[tilespmem:s25+$0x90] =	vst v22;
	v22 =	vld.idx.msk [tilespmem:v37+s15+$0x0], $0xffff  }
0x209: {  	v47 =	vadd.s32 v7, v18;
	v21 =	vld.idx.msk [tilespmem:v59+s15+$0x0], $0xffff;
	[tilespmem:s28+$0x130] =	vst v20  }
0x20a: {  	v39 =	vadd.s32 v10, v16;
	[tilespmem:s25+$0xFFFFFED0] =	vst v36;
	v40 =	vld.idx.msk [tilespmem:v60+s15+$0x0], $0xffff  }
0x20b: {  	v46 =	vld.idx.msk [tilespmem:v38+s15+$0x0], $0xffff;
	v42 =	vadd.s32 v7, v25;
	[tilespmem:s28+$0xFFFFFF80] =	vst v41  }
0x20c: {  	v49 =	vadd.s32 v10, v14;
	[tilespmem:s28+$0x60] =	vst v43;
	v51 =	vld.idx.msk [tilespmem:v44+s15+$0x0], $0xffff  }
0x20d: {  	v48 =	vadd.s32 v12, v19;
	v53 =	vld.idx.msk [tilespmem:v45+s15+$0x0], $0xffff;
	[tilespmem:s28+$0xFFFFFEA0] =	vst v22  }
0x20e: {  	v54 =	vadd.s32 v8, v17;
	[tilespmem:s25+$0x190] =	vst v21;
	v21 =	vld.idx.msk [tilespmem:v47+s15+$0x0], $0xffff  }
0x20f: {  	v55 =	vadd.s32 v8, v24;
	v20 =	vld.idx.msk [tilespmem:v39+s15+$0x0], $0xffff;
	[tilespmem:s28+$0x140] =	vst v40  }
0x210: {  	v57 =	vadd.s32 v8, v18;
	[tilespmem:s25+$0xFFFFFFC0] =	vst v46;
	v50 =	vld.idx.msk [tilespmem:v42+s15+$0x0], $0xffff  }
0x211: {  	v52 =	vadd.s32 v8, v25;
	v23 =	vld.idx.msk [tilespmem:v49+s15+$0x0], $0xffff;
	[tilespmem:s28+$0xFFFFFF90] =	vst v51  }
0x212: {  	v58 =	vadd.s32 v11, v15;
	v56 =	vld.idx.msk [tilespmem:v48+s15+$0x0], $0xffff;
	[tilespmem:s28+$0x70] =	vst v53  }
0x213: {  	v59 =	vadd.s32 v13, v19;
	v60 =	vld.idx.msk [tilespmem:v54+s15+$0x0], $0xffff;
	[tilespmem:s28+$0xFFFFFEB0] =	vst v21  }
0x214: {  	v63 =	vadd.s32 v9, v17;
	v62 =	vld.idx.msk [tilespmem:v55+s15+$0x0], $0xffff;
	[tilespmem:s25+$0xA0] =	vst v20  }
0x215: {  	v33 =	vadd.s32 v9, v24;
	v20 =	vld.idx.msk [tilespmem:v57+s15+$0x0], $0xffff;
	[tilespmem:s28+$0x150] =	vst v50  }
0x216: {  	v35 =	vadd.s32 v9, v18;
	[tilespmem:s25+$0xFFFFFEE0] =	vst v23;
	v26 =	vld.idx.msk [tilespmem:v52+s15+$0x0], $0xffff  }
0x217: {  	v61 =	vadd.s32 v9, v25;
	v34 =	vld.idx.msk [tilespmem:v58+s15+$0x0], $0xffff;
	[tilespmem:s25+$0x1A0] =	vst v56  }
0x218: {  	v43 =	vadd.s32 v12, v15;
	v19 =	vld.idx.msk [tilespmem:v59+s15+$0x0], $0xffff;
	[tilespmem:s28+$0xFFFFFFA0] =	vst v60  }
0x219: {  	v36 =	vadd.s32 v11, v16;
	[tilespmem:s28+$0x80] =	vst v62;
	v28 =	vld.idx.msk [tilespmem:v63+s15+$0x0], $0xffff  }
0x21a: {  	v39 =	vadd.s32 v10, v17;
	v21 =	vld.idx.msk [tilespmem:v33+s15+$0x0], $0xffff;
	[tilespmem:s28+$0xFFFFFEC0] =	vst v20  }
0x21b: {  	v40 =	vadd.s32 v10, v24;
	v20 =	vld.idx.msk [tilespmem:v35+s15+$0x0], $0xffff;
	[tilespmem:s28+$0x160] =	vst v26  }
0x21c: {  	[tilespmem:s25+$0xFFFFFFD0] =	vst v34;
	v42 =	vadd.s32 v10, v18;
	v22 =	vld.idx.msk [tilespmem:v61+s15+$0x0], $0xffff  }
0x21d: {  	v38 =	vadd.s32 v10, v25;
	v49 =	vld.idx.msk [tilespmem:v43+s15+$0x0], $0xffff;
	[tilespmem:s25+$0x1B0] =	vst v19  }
0x21e: {  	v15 =	vadd.s32 v13, v15;
	v41 =	vld.idx.msk [tilespmem:v36+s15+$0x0], $0xffff;
	[tilespmem:s28+$0xFFFFFFB0] =	vst v28  }
0x21f: {  	v37 =	vadd.s32 v11, v14;
	[tilespmem:s28+$0x90] =	vst v21;
	v29 =	vld.idx.msk [tilespmem:v39+s15+$0x0], $0xffff  }
0x220: {  	v47 =	vadd.s32 v11, v17;
	v46 =	vld.idx.msk [tilespmem:v40+s15+$0x0], $0xffff;
	[tilespmem:s28+$0xFFFFFED0] =	vst v20  }
0x221: {  	v48 =	vadd.s32 v11, v24;
	v19 =	vld.idx.msk [tilespmem:v42+s15+$0x0], $0xffff;
	[tilespmem:s28+$0x170] =	vst v22  }
0x222: {  	[tilespmem:s25+$0xFFFFFFE0] =	vst v49;
	v50 =	vadd.s32 v11, v18;
	v27 =	vld.idx.msk [tilespmem:v38+s15+$0x0], $0xffff  }
0x223: {  	v45 =	vadd.s32 v11, v25;
	v15 =	vld.idx.msk [tilespmem:v15+s15+$0x0], $0xffff;
	[tilespmem:s25+$0xB0] =	vst v41  }
0x224: {  	v44 =	vadd.s32 v12, v16;
	v26 =	vld.idx.msk [tilespmem:v37+s15+$0x0], $0xffff;
	[tilespmem:s28+$0xFFFFFFC0] =	vst v29  }
0x225: {  	v51 =	vadd.s32 v12, v14;
	[tilespmem:s28+$0xA0] =	vst v46;
	v21 =	vld.idx.msk [tilespmem:v47+s15+$0x0], $0xffff  }
0x226: {  	v53 =	vadd.s32 v12, v17;
	v20 =	vld.idx.msk [tilespmem:v48+s15+$0x0], $0xffff;
	[tilespmem:s28+$0xFFFFFEE0] =	vst v19  }
0x227: {  	v54 =	vadd.s32 v12, v24;
	v19 =	vld.idx.msk [tilespmem:v50+s15+$0x0], $0xffff;
	[tilespmem:s28+$0x180] =	vst v27  }
0x228: {  	v56 =	vadd.s32 v12, v18;
	[tilespmem:s25+$0xFFFFFFF0] =	vst v15;
	v27 =	vld.idx.msk [tilespmem:v45+s15+$0x0], $0xffff  }
0x229: {  	v52 =	vadd.s32 v12, v25;
	[tilespmem:s25+$0xFFFFFEF0] =	vst v26;
	v22 =	vld.idx.msk [tilespmem:v44+s15+$0x0], $0xffff  }
0x22a: {  	v57 =	vadd.s32 v13, v16;
	v55 =	vld.idx.msk [tilespmem:v51+s15+$0x0], $0xffff;
	[tilespmem:s28+$0xFFFFFFD0] =	vst v21  }
0x22b: {  	v14 =	vadd.s32 v13, v14;
	[tilespmem:s28+$0xB0] =	vst v20;
	v23 =	vld.idx.msk [tilespmem:v53+s15+$0x0], $0xffff  }
0x22c: {  	v59 =	vadd.s32 v13, v17;
	v60 =	vld.idx.msk [tilespmem:v54+s15+$0x0], $0xffff;
	[tilespmem:s28+$0xFFFFFEF0] =	vst v19  }
0x22d: {  	v62 =	vadd.s32 v13, v24;
	v61 =	vld.idx.msk [tilespmem:v56+s15+$0x0], $0xffff;
	[tilespmem:s28+$0x190] =	vst v27  }
0x22e: {  	v15 =	vadd.s32 v13, v18;
	[tilespmem:s25+$0xC0] =	vst v22;
	v27 =	vld.idx.msk [tilespmem:v52+s15+$0x0], $0xffff  }
0x22f: {  	v58 =	vadd.s32 v13, v25;
	[tilespmem:s25+$0xFFFFFF00] =	vst v55;
	v16 =	vld.idx.msk [tilespmem:v57+s15+$0x0], $0xffff  }
0x230: {  	v14 =	vld.idx.msk [tilespmem:v14+s15+$0x0], $0xffff;
	[tilespmem:s28+$0xFFFFFFE0] =	vst v23  }
0x231: {  	[tilespmem:s28+$0xC0] =	vst v60;
	v17 =	vld.idx.msk [tilespmem:v59+s15+$0x0], $0xffff  }
0x232: {  	v19 =	vld.idx.msk [tilespmem:v62+s15+$0x0], $0xffff;
	[tilespmem:s28+$0xFFFFFF00] =	vst v61  }
0x233: {  	v15 =	vld.idx.msk [tilespmem:v15+s15+$0x0], $0xffff;
	[tilespmem:s28+$0x1A0] =	vst v27  }
0x234: {  	[tilespmem:s25+$0xD0] =	vst v16;
	v63 =	vld.idx.msk [tilespmem:v58+s15+$0x0], $0xffff  }
0x235: {  	p0 =	seq.s32 s23, $0x29;
	[tilespmem:s25+$0xFFFFFF10] =	vst v14  }
.Ltmp7:
0x236: {  	s31 =	sadd.s32 s24, s10;
	[tilespmem:s28+$0xFFFFFFF0] =	vst v17;
	(pc) =	sbr.rel @p0 .LBB2_12-.Ltmp7, $4  }
0x237: {  	s25 =	smul.u32 $0xE00, s31;
	[tilespmem:s28+$0xD0] =	vst v19  }
0x238: {  	[tilespmem:s28+$0xFFFFFF10] =	vst v15  }
0x239: {  	s25 =	sadd.s32 s5, s25;
	[tilespmem:s28+$0x1B0] =	vst v63  }
0x23a: {  	[hbm4b:s25+s4] =	stream.linear.scatter [tilespmem:s20], [sflag:$0x4], $0x7000, $0x38;
	[tilespmem:$0x1C0E0] =	vst v63  }
.Ltmp8:
0x23b: {  	s24 =	sadd.s32 s24, s11;
	(pc) =	sbr.rel .LBB2_2-.Ltmp8, $3  }
0x23c: {  	s24 =	smul.u32 $0xE00, s24;
	_ =	sdelay $0x1  }
0x23d: {  	s23 =	sadd.s32 $0x1, s23;
	s24 =	sadd.s32 s1, s24  }
0x23e: {  	[tilespmem:s15], [sflag:$0x2] =	stream.linear.gather [hbm4b:s24+s4], $0x7000, $0x38;
	[tilespmem:$0x1C0E0] =	vst v63  }
.LBB2_13:
0x23f: {  	_ =	sfence.sel $0x180000  }
0x240: {  	[bflag:$0x0] =	sbarrier.arrive $0xFFFF  }
0x241: {  	p0 =	sne.s32 s2, $0x0;
	_ =	strace $0x90000047  }
0x242: {  	s0 =	sadd.s32 @!p0 $0x100000, s0;
	[bflag:$0x2] =	sbarrier.arrive $0xFFFF  }
0x243: {  	[sflag:s0] =	ssyncadd.tile.s32 @!p0 $0x1;
	_ =	shalt  }
.Lfunc_end2:
_tile_overlayer_lowered:
.L_overlay_start_2:
0x244: {  	(tag) =	ssettag $0x2  }
0x245: {  	s0 =	rddreg [dreg:$0x0];
	s2 =	stileid.u32  }
0x246: {  	s1 =	rddreg [dreg:$0x1];
	p0 =	sne.s32 s2, $0x0  }
0x247: {  	s3 =	rddreg [dreg:$0x2];
	[bflag:$0x3] =	sbarrier.arrive $0xFFFF;
	s2 =	simm.s32 @!p0 $0x1C05  }
0x248: {  	[timem:s3], [sflag:s2] =	dma.local @!p0 [hbm:s0], s1  }
0x249: {  	s0 =	simm.s32 @!p0 $0x5  }
0x24a: {  	_ =	swait.ge @!p0 [sflag:s0], s1  }
0x24b: {  	s1 =	ssub.s32 @!p0 $0x0, s1;
	[sflag:s0] =	ssyncset.done @!p0 $0x0  }
0x24c: {  	[sflag:s0] =	ssyncadd.s32 @!p0 s1  }
0x24d: {  	[bflag:$0x3] =	sbarrier.arrive $0xFFFF  }
0x24e: {  	_ =	shalt  }

</sc_bundles>
